<compile_context>
chip_gen: v7x
topology: tpu7x:2x2x1
jax: 0.10.2.dev20260603
libtpu: 0.0.44.dev20260713+nightly
codegen_flags: <defaults>
</compile_context>

<pallas_src>
import functools

import jax
import jax.numpy as jnp
from jax import lax
from jax.experimental import pallas as pl
from jax.experimental.pallas import tpu as pltpu
from jax.experimental.pallas import tpu_sc as plsc

N = 10000
E = 320000
DIN = 128
DH = 32
DOUT = 8
NG = 32

NC = 2
NS = 16
NW = NC * NS
CH = 128
EP = 327680
EPT = EP // NW
ITERS = EPT // CH
NP = 10240
RPT = NP // NS

BLK = 2000
GRID = N // BLK


@functools.lru_cache(maxsize=None)
def _make_sc_aggregate(W):
  mesh = plsc.VectorSubcoreMesh(core_axis_name="c", subcore_axis_name="s",
                                num_cores=NC, num_subcores=NS)

  @functools.partial(
      pl.kernel,
      out_type=jax.ShapeDtypeStruct((NC, N, W), jnp.float32),
      mesh=mesh,
      scratch_types=[
          pltpu.VMEM((ITERS, CH), jnp.int32),
          pltpu.VMEM((ITERS, CH), jnp.int32),
          pltpu.VMEM((CH, W), jnp.float32),
          pltpu.VMEM((CH, W), jnp.float32),
          pltpu.VMEM((CH, W), jnp.float32),
          pltpu.VMEM((CH, W), jnp.float32),
          pltpu.VMEM_SHARED((N, W), jnp.float32),
          pltpu.VMEM_SHARED((NP, W), jnp.float32),
          pltpu.SemaphoreType.DMA,
          pltpu.SemaphoreType.DMA,
      ],
      compiler_params=pltpu.CompilerParams(use_tc_tiling_on_sc=False),
  )
  def agg(p_hbm, src_hbm, dst_hbm, zeros_hbm, out_hbm,
          sidx, didx, rows0, rows1, rows2, rows3, p_sh, acc, gsem, ssem):
    c = lax.axis_index("c")
    s = lax.axis_index("s")
    wid = c * NS + s
    rps = N // NS
    pltpu.sync_copy(p_hbm.at[pl.ds(s * rps, rps)],
                    p_sh.at[pl.ds(s * rps, rps)])
    pltpu.sync_copy(zeros_hbm.at[pl.ds(s * rps, rps)],
                    acc.at[pl.ds(s * rps, rps)])
    row0 = wid * ITERS
    pltpu.sync_copy(src_hbm.at[pl.ds(row0, ITERS)], sidx)
    pltpu.sync_copy(dst_hbm.at[pl.ds(row0, ITERS)], didx)
    plsc.subcore_barrier()

    def start_gather(j, buf):
      pltpu.async_copy(p_sh.at[sidx.at[j]], buf, gsem)

    def start_scatter(j, buf):
      pltpu.async_copy(buf, acc.at[didx.at[j]], ssem, add=True)

    def wait_gather(buf):
      pltpu.make_async_copy(p_sh.at[sidx.at[0]], buf, gsem).wait()

    def wait_scatter(buf):
      pltpu.make_async_copy(buf, acc.at[didx.at[0]], ssem).wait()

    bufs = (rows0, rows1, rows2, rows3)
    start_gather(0, rows0)
    start_gather(1, rows1)

    def body(j4, carry):
      j = 4 * j4
      for t in range(4):
        bt = bufs[t]
        bn = bufs[(t + 2) % 4]
        wait_gather(bt)
        if t < 2:
          @pl.when(j4 > 0)
          def _(bn=bn):
            wait_scatter(bn)
        else:
          wait_scatter(bn)
        if t < 2:
          start_gather(j + t + 2, bn)
        else:
          @pl.when(j4 < ITERS // 4 - 1)
          def _(bn=bn, jg=j + t + 2):
            start_gather(jg, bn)
        start_scatter(j + t, bt)
      return carry

    lax.fori_loop(0, ITERS // 4, body, 0)
    wait_scatter(rows2)
    wait_scatter(rows3)
    plsc.subcore_barrier()
    pltpu.sync_copy(acc.at[pl.ds(s * rps, rps)],
                    out_hbm.at[c, pl.ds(s * rps, rps)])

  return agg



def _k0_body(x_ref, wl_ref, wr_ref, b_ref, paug_ref, q_ref):
  x = x_ref[...]
  p = jnp.dot(x, wl_ref[...], preferred_element_type=jnp.float32)
  one = jnp.ones((BLK, 1), jnp.float32)
  pad = jnp.zeros((BLK, 15), jnp.float32)
  paug_ref[...] = jnp.concatenate([p, one, pad], axis=1)
  q_ref[...] = jnp.dot(x, wr_ref[...], preferred_element_type=jnp.float32) + b_ref[...]


def _tc_project_in(x, Wl, Wr, b):
  return pl.pallas_call(
      _k0_body,
      grid=(GRID,),
      in_specs=[
          pl.BlockSpec((BLK, DIN), lambda i: (i, 0)),
          pl.BlockSpec((DIN, DH), lambda i: (0, 0)),
          pl.BlockSpec((DIN, DH), lambda i: (0, 0)),
          pl.BlockSpec((1, DH), lambda i: (0, 0)),
      ],
      out_specs=[
          pl.BlockSpec((BLK, DH + 16), lambda i: (i, 0)),
          pl.BlockSpec((BLK, DH), lambda i: (i, 0)),
      ],
      out_shape=[
          jax.ShapeDtypeStruct((N, DH + 16), jnp.float32),
          jax.ShapeDtypeStruct((N, DH), jnp.float32),
      ],
  )(x, Wl, Wr, b.reshape(1, DH))


def _k1_body(acc_ref, q_ref, wl_ref, wr_ref, b_ref,
             p_ref, qn_ref, cnt_ref):
  a0 = acc_ref[0]
  a1 = acc_ref[1]
  cnt = a0[:, DH:DH + 1] + a1[:, DH:DH + 1]
  agg = a0[:, :DH] + a1[:, :DH]
  h = jnp.maximum(agg / jnp.maximum(cnt, 1.0) + q_ref[...], 0.0)
  p_ref[...] = jnp.dot(h, wl_ref[...], preferred_element_type=jnp.float32)
  qn_ref[...] = jnp.dot(h, wr_ref[...], preferred_element_type=jnp.float32) + b_ref[...]
  cnt_ref[...] = cnt


def _tc_combine1(acc, q, Wl, Wr, b):
  return pl.pallas_call(
      _k1_body,
      grid=(GRID,),
      in_specs=[
          pl.BlockSpec((NC, BLK, DH + 16), lambda i: (0, i, 0)),
          pl.BlockSpec((BLK, DH), lambda i: (i, 0)),
          pl.BlockSpec((DH, DH), lambda i: (0, 0)),
          pl.BlockSpec((DH, DH), lambda i: (0, 0)),
          pl.BlockSpec((1, DH), lambda i: (0, 0)),
      ],
      out_specs=[
          pl.BlockSpec((BLK, DH), lambda i: (i, 0)),
          pl.BlockSpec((BLK, DH), lambda i: (i, 0)),
          pl.BlockSpec((BLK, 1), lambda i: (i, 0)),
      ],
      out_shape=[
          jax.ShapeDtypeStruct((N, DH), jnp.float32),
          jax.ShapeDtypeStruct((N, DH), jnp.float32),
          jax.ShapeDtypeStruct((N, 1), jnp.float32),
      ],
  )(acc, q, Wl, Wr, b.reshape(1, DH))


def _k2_body(acc_ref, q_ref, cnt_ref, wl_ref, wr_ref, b_ref,
             p_ref, qn_ref):
  agg = acc_ref[0] + acc_ref[1]
  h = jnp.maximum(agg / jnp.maximum(cnt_ref[...], 1.0) + q_ref[...], 0.0)
  p_ref[...] = jnp.dot(h, wl_ref[...], preferred_element_type=jnp.float32)
  qn_ref[...] = jnp.dot(h, wr_ref[...], preferred_element_type=jnp.float32) + b_ref[...]


def _tc_combine2(acc, q, cnt, Wl, Wr, b):
  return pl.pallas_call(
      _k2_body,
      grid=(GRID,),
      in_specs=[
          pl.BlockSpec((NC, BLK, DH), lambda i: (0, i, 0)),
          pl.BlockSpec((BLK, DH), lambda i: (i, 0)),
          pl.BlockSpec((BLK, 1), lambda i: (i, 0)),
          pl.BlockSpec((DH, DH), lambda i: (0, 0)),
          pl.BlockSpec((DH, DH), lambda i: (0, 0)),
          pl.BlockSpec((1, DH), lambda i: (0, 0)),
      ],
      out_specs=[
          pl.BlockSpec((BLK, DH), lambda i: (i, 0)),
          pl.BlockSpec((BLK, DH), lambda i: (i, 0)),
      ],
      out_shape=[
          jax.ShapeDtypeStruct((N, DH), jnp.float32),
          jax.ShapeDtypeStruct((N, DH), jnp.float32),
      ],
  )(acc, q, cnt, Wl, Wr, b.reshape(1, DH))


def _k3_body(acc_ref, q_ref, cnt_ref, batch_ref,
             l1w_ref, l1b_ref, l2w_ref, l2b_ref, out_ref,
             gs_ref, gc_ref):
  i = pl.program_id(0)

  @pl.when(i == 0)
  def _():
    gs_ref[...] = jnp.zeros_like(gs_ref)
    gc_ref[...] = jnp.zeros_like(gc_ref)

  agg = acc_ref[0] + acc_ref[1]
  h = jnp.maximum(agg / jnp.maximum(cnt_ref[...], 1.0) + q_ref[...], 0.0)
  groups = lax.broadcasted_iota(jnp.int32, (BLK, NG), 1)
  onehot = (batch_ref[...] == groups).astype(jnp.float32)
  gs_ref[...] += lax.dot_general(
      onehot, h, (((0,), (0,)), ((), ())),
      preferred_element_type=jnp.float32)
  gc_ref[...] += lax.dot_general(
      onehot, jnp.ones((BLK, DH), jnp.float32), (((0,), (0,)), ((), ())),
      preferred_element_type=jnp.float32)

  @pl.when(i == GRID - 1)
  def _():
    g = gs_ref[...] / jnp.maximum(gc_ref[...], 1.0)
    z = jnp.maximum(
        jnp.dot(g, l1w_ref[...], preferred_element_type=jnp.float32)
        + l1b_ref[...], 0.0)
    out_ref[...] = jnp.dot(
        z, l2w_ref[...], preferred_element_type=jnp.float32) + l2b_ref[...]


def _tc_head(acc, q, cnt, batch2d, L1W, L1b, L2W, L2b):
  return pl.pallas_call(
      _k3_body,
      grid=(GRID,),
      in_specs=[
          pl.BlockSpec((NC, BLK, DH), lambda i: (0, i, 0)),
          pl.BlockSpec((BLK, DH), lambda i: (i, 0)),
          pl.BlockSpec((BLK, 1), lambda i: (i, 0)),
          pl.BlockSpec((BLK, 1), lambda i: (i, 0)),
          pl.BlockSpec((DH, DH), lambda i: (0, 0)),
          pl.BlockSpec((1, DH), lambda i: (0, 0)),
          pl.BlockSpec((DH, DOUT), lambda i: (0, 0)),
          pl.BlockSpec((1, DOUT), lambda i: (0, 0)),
      ],
      out_specs=pl.BlockSpec((NG, DOUT), lambda i: (0, 0)),
      out_shape=jax.ShapeDtypeStruct((NG, DOUT), jnp.float32),
      scratch_shapes=[
          pltpu.VMEM((NG, DH), jnp.float32),
          pltpu.VMEM((NG, DH), jnp.float32),
      ],
  )(acc, q, cnt, batch2d, L1W, L1b.reshape(1, DH), L2W, L2b.reshape(1, DOUT))


def kernel(x, edge_index, edge_weight, batch,
           W1l, W1r, b1, W2l, W2r, b2, W3l, W3r, b3,
           L1W, L1b, L2W, L2b):
  del edge_weight
  pad = EP - E
  src = jnp.concatenate(
      [edge_index[0], jnp.zeros((pad,), jnp.int32)]).reshape(EP // CH, CH)
  dst = jnp.concatenate(
      [edge_index[1], jnp.full((pad,), NP - 1, jnp.int32)]).reshape(EP // CH, CH)
  zeros48 = jnp.zeros((N, DH + 16), jnp.float32)
  zeros32 = jnp.zeros((N, DH), jnp.float32)

  p1, q1 = _tc_project_in(x, W1l, W1r, b1)
  acc1 = _make_sc_aggregate(DH + 16)(p1, src, dst, zeros48)
  p2, q2, cnt = _tc_combine1(acc1, q1, W2l, W2r, b2)
  acc2 = _make_sc_aggregate(DH)(p2, src, dst, zeros32)
  p3, q3 = _tc_combine2(acc2, q2, cnt, W3l, W3r, b3)
  acc3 = _make_sc_aggregate(DH)(p3, src, dst, zeros32)
  out = _tc_head(acc3, q3, cnt, batch.reshape(N, 1),
                 L1W, L1b, L2W, L2b)
  return out

# --- scband reference (transcript-rebuilt; emitter-appended) ---
"""Pipeline reference for scband-graph-sage-39084202394397 (READ-ONLY COPY).

The authoritative reference and input builder live on the scoring server;
editing this copy changes nothing except your own understanding.
"""

import jax, jax.numpy as jnp
import numpy as np

N = 10000
E = 320000
DIN = 128
DH = 32
DOUT = 8
NG = 32  # number of graphs in the batch for global_mean_pool


def setup_inputs(seed: int = 0) -> dict:
    key = jax.random.key(seed)
    ks = jax.random.split(key, 20)
    x = jax.random.normal(ks[0], (N, DIN), dtype=jnp.float32)
    edge_index = jax.random.randint(ks[1], (2, E), 0, N, dtype=jnp.int32)
    edge_weight = jax.random.uniform(ks[2], (E,), dtype=jnp.float32)
    batch = jnp.sort(jax.random.randint(ks[3], (N,), 0, NG, dtype=jnp.int32))
    s = 0.1
    params = dict(
        W1l=jax.random.normal(ks[4], (DIN, DH), jnp.float32) * s,
        W1r=jax.random.normal(ks[5], (DIN, DH), jnp.float32) * s,
        b1=jnp.zeros((DH,), jnp.float32),
        W2l=jax.random.normal(ks[6], (DH, DH), jnp.float32) * s,
        W2r=jax.random.normal(ks[7], (DH, DH), jnp.float32) * s,
        b2=jnp.zeros((DH,), jnp.float32),
        W3l=jax.random.normal(ks[8], (DH, DH), jnp.float32) * s,
        W3r=jax.random.normal(ks[9], (DH, DH), jnp.float32) * s,
        b3=jnp.zeros((DH,), jnp.float32),
        L1W=jax.random.normal(ks[10], (DH, DH), jnp.float32) * s,
        L1b=jnp.zeros((DH,), jnp.float32),
        L2W=jax.random.normal(ks[11], (DH, DOUT), jnp.float32) * s,
        L2b=jnp.zeros((DOUT,), jnp.float32),
    )
    inp = {"x": x, "edge_index": edge_index, "edge_weight": edge_weight, "batch": batch}
    inp.update(params)
    return inp


def _sage_conv(h, edge_index, Wl, Wr, b):
    # PyG SAGEConv (mean aggregation): out = lin_l(mean_{j->i} h_j) + lin_r(h_i) + bias
    src = edge_index[0]
    dst = edge_index[1]
    msg = jnp.take(h, src, axis=0)  # gather over edges (memory-bound)
    agg = jax.ops.segment_sum(msg, dst, num_segments=N)  # scatter-add
    cnt = jax.ops.segment_sum(jnp.ones((msg.shape[0], 1), h.dtype), dst, num_segments=N)
    mean = agg / jnp.maximum(cnt, 1.0)
    return mean @ Wl + h @ Wr + b


def reference(x, edge_index, edge_weight, batch,
              W1l, W1r, b1, W2l, W2r, b2, W3l, W3r, b3,
              L1W, L1b, L2W, L2b):
    # edge_weight is unpacked in the torch forward but never used by SAGEConv
    h = _sage_conv(x, edge_index, W1l, W1r, b1)
    h = jax.nn.relu(h)
    h = _sage_conv(h, edge_index, W2l, W2r, b2)
    h = jax.nn.relu(h)
    h = _sage_conv(h, edge_index, W3l, W3r, b3)
    h = jax.nn.relu(h)
    # global_mean_pool over batch assignment
    gsum = jax.ops.segment_sum(h, batch, num_segments=NG)
    gcnt = jax.ops.segment_sum(jnp.ones((h.shape[0], 1), h.dtype), batch, num_segments=NG)
    g = gsum / jnp.maximum(gcnt, 1.0)
    g = jax.nn.relu(g @ L1W + L1b)
    # dropout is identity in eval mode (training=False)
    out = g @ L2W + L2b
    return out

if __name__ == "__main__":
    import jax
    _d = setup_inputs()
    print(jax.jit(kernel)(*tuple(_d.values())))

</pallas_src>

<mosaic_0001>
#map = affine_map<(d0, d1) -> (0, 0)>
#map1 = affine_map<(d0, d1) -> (0, 0, 0)>
module attributes {stable_mosaic.version = 14 : i64} {
  func.func @agg(%arg0: i32, %arg1: i32, %arg2: memref<10000x32xf32, #tpu.memory_space<hbm>>, %arg3: memref<2560x128xi32, #tpu.memory_space<hbm>>, %arg4: memref<2560x128xi32, #tpu.memory_space<hbm>>, %arg5: memref<10000x32xf32, #tpu.memory_space<hbm>>, %arg6: memref<2x10000x32xf32, #tpu.memory_space<hbm>>, %arg7: memref<80x128xi32, #tpu.memory_space<vmem>>, %arg8: memref<80x128xi32, #tpu.memory_space<vmem>>, %arg9: memref<128x32xf32, #tpu.memory_space<vmem>>, %arg10: memref<128x32xf32, #tpu.memory_space<vmem>>, %arg11: memref<128x32xf32, #tpu.memory_space<vmem>>, %arg12: memref<128x32xf32, #tpu.memory_space<vmem>>, %arg13: memref<10000x32xf32, #tpu.memory_space<vmem_shared>>, %arg14: memref<10240x32xf32, #tpu.memory_space<vmem_shared>>, %arg15: memref<!tpu.dma_semaphore, #tpu.memory_space<semaphore_mem>>, %arg16: memref<!tpu.dma_semaphore, #tpu.memory_space<semaphore_mem>>) attributes {dimension_semantics = [#tpu.dimension_semantics<core_parallel>, #tpu.dimension_semantics<subcore_parallel>], iteration_bounds = array<i64: 2, 16>, scalar_prefetch = 0 : i64, scratch_operands = 10 : i64, tpu.core_type = #tpu.core_type<sc_vector_subcore>, window_params = [{transform_indices = #map}, {transform_indices = #map}, {transform_indices = #map}, {transform_indices = #map}, {transform_indices = #map1}]} {
    %mul3A = arith.constant 16 : i32
    %mul3A_0 = arith.muli %arg0, %mul3A : i32
    %add3A = arith.addi %mul3A_0, %arg1 : i32
    %mul3A_1 = arith.constant 625 : i32
    %mul3A_2 = arith.muli %arg1, %mul3A_1 : i32
    %mul3A_3 = arith.constant 625 : i32
    %mul3A_4 = arith.muli %arg1, %mul3A_3 : i32
    "tpu.region"() ({
      %run_scoped3A = tpu.sem_alloc : memref<!tpu.dma_semaphore, #tpu.memory_space<semaphore_mem>>
      %dma_start3A_47 = arith.constant 0 : i32
      %dma_start3A_48 = tpu.memref_slice %arg13[%mul3A_4, %dma_start3A_47] : memref<10000x32xf32, #tpu.memory_space<vmem_shared>> -> memref<625x32xf32, #tpu.memory_space<vmem_shared>>
      %dma_start3A_49 = arith.constant 0 : i32
      %dma_start3A_50 = tpu.memref_slice %arg2[%mul3A_2, %dma_start3A_49] : memref<10000x32xf32, #tpu.memory_space<hbm>> -> memref<625x32xf32, #tpu.memory_space<hbm>>
      tpu.enqueue_dma source(%dma_start3A_50 : memref<625x32xf32, #tpu.memory_space<hbm>>) target(%dma_start3A_48 : memref<625x32xf32, #tpu.memory_space<vmem_shared>>) target_semaphore(%run_scoped3A : memref<!tpu.dma_semaphore, #tpu.memory_space<semaphore_mem>>)
      %dma_wait3A_51 = arith.constant 0 : i32
      %dma_wait3A_52 = tpu.memref_slice %arg13[%mul3A_4, %dma_wait3A_51] : memref<10000x32xf32, #tpu.memory_space<vmem_shared>> -> memref<625x32xf32, #tpu.memory_space<vmem_shared>>
      %dma_wait3A_53 = arith.constant 0 : i32
      %dma_wait3A_54 = tpu.memref_slice %arg2[%mul3A_2, %dma_wait3A_53] : memref<10000x32xf32, #tpu.memory_space<hbm>> -> memref<625x32xf32, #tpu.memory_space<hbm>>
      tpu.wait_dma2 semaphore(%run_scoped3A : memref<!tpu.dma_semaphore, #tpu.memory_space<semaphore_mem>>) src(%dma_wait3A_54 : memref<625x32xf32, #tpu.memory_space<hbm>>) dst(%dma_wait3A_52 : memref<625x32xf32, #tpu.memory_space<vmem_shared>>)
      tpu.yield
    }) : () -> ()
    %mul3A_5 = arith.constant 625 : i32
    %mul3A_6 = arith.muli %arg1, %mul3A_5 : i32
    %mul3A_7 = arith.constant 625 : i32
    %mul3A_8 = arith.muli %arg1, %mul3A_7 : i32
    "tpu.region"() ({
      %run_scoped3A = tpu.sem_alloc : memref<!tpu.dma_semaphore, #tpu.memory_space<semaphore_mem>>
      %dma_start3A_47 = arith.constant 0 : i32
      %dma_start3A_48 = tpu.memref_slice %arg14[%mul3A_8, %dma_start3A_47] : memref<10240x32xf32, #tpu.memory_space<vmem_shared>> -> memref<625x32xf32, #tpu.memory_space<vmem_shared>>
      %dma_start3A_49 = arith.constant 0 : i32
      %dma_start3A_50 = tpu.memref_slice %arg5[%mul3A_6, %dma_start3A_49] : memref<10000x32xf32, #tpu.memory_space<hbm>> -> memref<625x32xf32, #tpu.memory_space<hbm>>
      tpu.enqueue_dma source(%dma_start3A_50 : memref<625x32xf32, #tpu.memory_space<hbm>>) target(%dma_start3A_48 : memref<625x32xf32, #tpu.memory_space<vmem_shared>>) target_semaphore(%run_scoped3A : memref<!tpu.dma_semaphore, #tpu.memory_space<semaphore_mem>>)
      %dma_wait3A_51 = arith.constant 0 : i32
      %dma_wait3A_52 = tpu.memref_slice %arg14[%mul3A_8, %dma_wait3A_51] : memref<10240x32xf32, #tpu.memory_space<vmem_shared>> -> memref<625x32xf32, #tpu.memory_space<vmem_shared>>
      %dma_wait3A_53 = arith.constant 0 : i32
      %dma_wait3A_54 = tpu.memref_slice %arg5[%mul3A_6, %dma_wait3A_53] : memref<10000x32xf32, #tpu.memory_space<hbm>> -> memref<625x32xf32, #tpu.memory_space<hbm>>
      tpu.wait_dma2 semaphore(%run_scoped3A : memref<!tpu.dma_semaphore, #tpu.memory_space<semaphore_mem>>) src(%dma_wait3A_54 : memref<625x32xf32, #tpu.memory_space<hbm>>) dst(%dma_wait3A_52 : memref<625x32xf32, #tpu.memory_space<vmem_shared>>)
      tpu.yield
    }) : () -> ()
    %mul3A_9 = arith.constant 80 : i32
    %mul3A_10 = arith.muli %add3A, %mul3A_9 : i32
    "tpu.region"() ({
      %run_scoped3A = tpu.sem_alloc : memref<!tpu.dma_semaphore, #tpu.memory_space<semaphore_mem>>
      %dma_start3A_47 = arith.constant 0 : i32
      %dma_start3A_48 = tpu.memref_slice %arg3[%mul3A_10, %dma_start3A_47] : memref<2560x128xi32, #tpu.memory_space<hbm>> -> memref<80x128xi32, #tpu.memory_space<hbm>>
      %dma_start3A_49 = arith.constant 0 : i32
      %dma_start3A_50 = tpu.memref_slice %arg3[%mul3A_10, %dma_start3A_49] : memref<2560x128xi32, #tpu.memory_space<hbm>> -> memref<80x128xi32, #tpu.memory_space<hbm>>
      tpu.enqueue_dma source(%dma_start3A_50 : memref<80x128xi32, #tpu.memory_space<hbm>>) target(%arg7 : memref<80x128xi32, #tpu.memory_space<vmem>>) target_semaphore(%run_scoped3A : memref<!tpu.dma_semaphore, #tpu.memory_space<semaphore_mem>>)
      %dma_wait3A_51 = arith.constant 0 : i32
      %dma_wait3A_52 = tpu.memref_slice %arg3[%mul3A_10, %dma_wait3A_51] : memref<2560x128xi32, #tpu.memory_space<hbm>> -> memref<80x128xi32, #tpu.memory_space<hbm>>
      %dma_wait3A_53 = arith.constant 0 : i32
      %dma_wait3A_54 = tpu.memref_slice %arg3[%mul3A_10, %dma_wait3A_53] : memref<2560x128xi32, #tpu.memory_space<hbm>> -> memref<80x128xi32, #tpu.memory_space<hbm>>
      tpu.wait_dma2 semaphore(%run_scoped3A : memref<!tpu.dma_semaphore, #tpu.memory_space<semaphore_mem>>) src(%dma_wait3A_54 : memref<80x128xi32, #tpu.memory_space<hbm>>) dst(%arg7 : memref<80x128xi32, #tpu.memory_space<vmem>>)
      tpu.yield
    }) : () -> ()
    "tpu.region"() ({
      %run_scoped3A = tpu.sem_alloc : memref<!tpu.dma_semaphore, #tpu.memory_space<semaphore_mem>>
      %dma_start3A_47 = arith.constant 0 : i32
      %dma_start3A_48 = tpu.memref_slice %arg4[%mul3A_10, %dma_start3A_47] : memref<2560x128xi32, #tpu.memory_space<hbm>> -> memref<80x128xi32, #tpu.memory_space<hbm>>
      %dma_start3A_49 = arith.constant 0 : i32
      %dma_start3A_50 = tpu.memref_slice %arg4[%mul3A_10, %dma_start3A_49] : memref<2560x128xi32, #tpu.memory_space<hbm>> -> memref<80x128xi32, #tpu.memory_space<hbm>>
      tpu.enqueue_dma source(%dma_start3A_50 : memref<80x128xi32, #tpu.memory_space<hbm>>) target(%arg8 : memref<80x128xi32, #tpu.memory_space<vmem>>) target_semaphore(%run_scoped3A : memref<!tpu.dma_semaphore, #tpu.memory_space<semaphore_mem>>)
      %dma_wait3A_51 = arith.constant 0 : i32
      %dma_wait3A_52 = tpu.memref_slice %arg4[%mul3A_10, %dma_wait3A_51] : memref<2560x128xi32, #tpu.memory_space<hbm>> -> memref<80x128xi32, #tpu.memory_space<hbm>>
      %dma_wait3A_53 = arith.constant 0 : i32
      %dma_wait3A_54 = tpu.memref_slice %arg4[%mul3A_10, %dma_wait3A_53] : memref<2560x128xi32, #tpu.memory_space<hbm>> -> memref<80x128xi32, #tpu.memory_space<hbm>>
      tpu.wait_dma2 semaphore(%run_scoped3A : memref<!tpu.dma_semaphore, #tpu.memory_space<semaphore_mem>>) src(%dma_wait3A_54 : memref<80x128xi32, #tpu.memory_space<hbm>>) dst(%arg8 : memref<80x128xi32, #tpu.memory_space<vmem>>)
      tpu.yield
    }) : () -> ()
    %barrier3A = arith.constant 0 : index
    tpu.barrier barrier_id(%barrier3A)
    %dma_start3A = arith.constant 0 : i32
    %dma_start3A_11 = arith.constant 0 : i32
    %dma_start3A_12 = tpu.memref_slice %arg7[%dma_start3A, %dma_start3A_11] : memref<80x128xi32, #tpu.memory_space<vmem>> -> memref<1x128xi32, #tpu.memory_space<vmem>>
    %dma_start3A_13 = tpu.memref_squeeze %dma_start3A_12 : memref<1x128xi32, #tpu.memory_space<vmem>> -> memref<128xi32, #tpu.memory_space<vmem>>
    %dma_start3A_14 = arith.constant 0 : i32
    %dma_start3A_15 = arith.constant 0 : i32
    %dma_start3A_16 = tpu.memref_slice %arg13[%dma_start3A_14, %dma_start3A_15] : memref<10000x32xf32, #tpu.memory_space<vmem_shared>> -> memref<10000x32xf32, #tpu.memory_space<vmem_shared>>
    tpu.enqueue_indirect_dma source(%dma_start3A_16 : memref<10000x32xf32, #tpu.memory_space<vmem_shared>>) target(%arg9 : memref<128x32xf32, #tpu.memory_space<vmem>>) offsets(%dma_start3A_13 : memref<128xi32, #tpu.memory_space<vmem>>) semaphore(%arg15 : memref<!tpu.dma_semaphore, #tpu.memory_space<semaphore_mem>>)
    %dma_start3A_17 = arith.constant 1 : i32
    %dma_start3A_18 = arith.constant 0 : i32
    %dma_start3A_19 = tpu.memref_slice %arg7[%dma_start3A_17, %dma_start3A_18] : memref<80x128xi32, #tpu.memory_space<vmem>> -> memref<1x128xi32, #tpu.memory_space<vmem>>
    %dma_start3A_20 = tpu.memref_squeeze %dma_start3A_19 : memref<1x128xi32, #tpu.memory_space<vmem>> -> memref<128xi32, #tpu.memory_space<vmem>>
    %dma_start3A_21 = arith.constant 0 : i32
    %dma_start3A_22 = arith.constant 0 : i32
    %dma_start3A_23 = tpu.memref_slice %arg13[%dma_start3A_21, %dma_start3A_22] : memref<10000x32xf32, #tpu.memory_space<vmem_shared>> -> memref<10000x32xf32, #tpu.memory_space<vmem_shared>>
    tpu.enqueue_indirect_dma source(%dma_start3A_23 : memref<10000x32xf32, #tpu.memory_space<vmem_shared>>) target(%arg10 : memref<128x32xf32, #tpu.memory_space<vmem>>) offsets(%dma_start3A_20 : memref<128xi32, #tpu.memory_space<vmem>>) semaphore(%arg15 : memref<!tpu.dma_semaphore, #tpu.memory_space<semaphore_mem>>)
    %scan3A = arith.constant 0 : i32
    %scan3A_24 = arith.constant 0 : i32
    %scan3A_25 = arith.constant 20 : i32
    %scan3A_26 = arith.addi %scan3A_24, %scan3A_25 : i32
    %scan3A_27 = arith.constant 1 : i32
    scf.for %scan3A_47 = %scan3A_24 to %scan3A_26 step %scan3A_27  : i32 {
      %mul3A_48 = arith.constant 4 : i32
      %mul3A_49 = arith.muli %mul3A_48, %scan3A_47 : i32
      %dma_wait3A_50 = arith.constant 0 : i32
      %dma_wait3A_51 = arith.constant 0 : i32
      %dma_wait3A_52 = tpu.memref_slice %arg7[%dma_wait3A_50, %dma_wait3A_51] : memref<80x128xi32, #tpu.memory_space<vmem>> -> memref<1x128xi32, #tpu.memory_space<vmem>>
      %dma_wait3A_53 = tpu.memref_squeeze %dma_wait3A_52 : memref<1x128xi32, #tpu.memory_space<vmem>> -> memref<128xi32, #tpu.memory_space<vmem>>
      %dma_wait3A_54 = arith.constant 0 : i32
      %dma_wait3A_55 = arith.constant 0 : i32
      %dma_wait3A_56 = tpu.memref_slice %arg13[%dma_wait3A_54, %dma_wait3A_55] : memref<10000x32xf32, #tpu.memory_space<vmem_shared>> -> memref<10000x32xf32, #tpu.memory_space<vmem_shared>>
      tpu.wait_indirect_dma semaphore(%arg15 : memref<!tpu.dma_semaphore, #tpu.memory_space<semaphore_mem>>) src(%dma_wait3A_56 : memref<10000x32xf32, #tpu.memory_space<vmem_shared>>) dst(%arg9 : memref<128x32xf32, #tpu.memory_space<vmem>>)
      %gt3A = arith.constant 0 : i32
      %gt3A_57 = arith.cmpi sgt, %scan3A_47, %gt3A : i32
      %convert_element_type3A = arith.extui %gt3A_57 : i1 to i32
      %cond3A = arith.constant 0 : i32
      %cond3A_58 = arith.cmpi ne, %convert_element_type3A, %cond3A : i32
      scf.if %cond3A_58 {
        %dma_wait3A_168 = arith.constant 0 : i32
        %dma_wait3A_169 = arith.constant 0 : i32
        %dma_wait3A_170 = tpu.memref_slice %arg8[%dma_wait3A_168, %dma_wait3A_169] : memref<80x128xi32, #tpu.memory_space<vmem>> -> memref<1x128xi32, #tpu.memory_space<vmem>>
        %dma_wait3A_171 = tpu.memref_squeeze %dma_wait3A_170 : memref<1x128xi32, #tpu.memory_space<vmem>> -> memref<128xi32, #tpu.memory_space<vmem>>
        %dma_wait3A_172 = arith.constant 0 : i32
        %dma_wait3A_173 = arith.constant 0 : i32
        %dma_wait3A_174 = tpu.memref_slice %arg14[%dma_wait3A_172, %dma_wait3A_173] : memref<10240x32xf32, #tpu.memory_space<vmem_shared>> -> memref<10240x32xf32, #tpu.memory_space<vmem_shared>>
        tpu.wait_indirect_dma semaphore(%arg16 : memref<!tpu.dma_semaphore, #tpu.memory_space<semaphore_mem>>) src(%arg11 : memref<128x32xf32, #tpu.memory_space<vmem>>) dst(%dma_wait3A_174 : memref<10240x32xf32, #tpu.memory_space<vmem_shared>>)
      } else {
      }
      %add3A_59 = arith.constant 0 : i32
      %add3A_60 = arith.addi %mul3A_49, %add3A_59 : i32
      %add3A_61 = arith.constant 2 : i32
      %add3A_62 = arith.addi %add3A_60, %add3A_61 : i32
      %dma_start3A_63 = arith.constant 0 : i32
      %dma_start3A_64 = tpu.memref_slice %arg7[%add3A_62, %dma_start3A_63] : memref<80x128xi32, #tpu.memory_space<vmem>> -> memref<1x128xi32, #tpu.memory_space<vmem>>
      %dma_start3A_65 = tpu.memref_squeeze %dma_start3A_64 : memref<1x128xi32, #tpu.memory_space<vmem>> -> memref<128xi32, #tpu.memory_space<vmem>>
      %dma_start3A_66 = arith.constant 0 : i32
      %dma_start3A_67 = arith.constant 0 : i32
      %dma_start3A_68 = tpu.memref_slice %arg13[%dma_start3A_66, %dma_start3A_67] : memref<10000x32xf32, #tpu.memory_space<vmem_shared>> -> memref<10000x32xf32, #tpu.memory_space<vmem_shared>>
      tpu.enqueue_indirect_dma source(%dma_start3A_68 : memref<10000x32xf32, #tpu.memory_space<vmem_shared>>) target(%arg11 : memref<128x32xf32, #tpu.memory_space<vmem>>) offsets(%dma_start3A_65 : memref<128xi32, #tpu.memory_space<vmem>>) semaphore(%arg15 : memref<!tpu.dma_semaphore, #tpu.memory_space<semaphore_mem>>)
      %add3A_69 = arith.constant 0 : i32
      %add3A_70 = arith.addi %mul3A_49, %add3A_69 : i32
      %dma_start3A_71 = arith.constant 0 : i32
      %dma_start3A_72 = tpu.memref_slice %arg8[%add3A_70, %dma_start3A_71] : memref<80x128xi32, #tpu.memory_space<vmem>> -> memref<1x128xi32, #tpu.memory_space<vmem>>
      %dma_start3A_73 = tpu.memref_squeeze %dma_start3A_72 : memref<1x128xi32, #tpu.memory_space<vmem>> -> memref<128xi32, #tpu.memory_space<vmem>>
      %dma_start3A_74 = arith.constant 0 : i32
      %dma_start3A_75 = arith.constant 0 : i32
      %dma_start3A_76 = tpu.memref_slice %arg14[%dma_start3A_74, %dma_start3A_75] : memref<10240x32xf32, #tpu.memory_space<vmem_shared>> -> memref<10240x32xf32, #tpu.memory_space<vmem_shared>>
      tpu.enqueue_indirect_dma source(%arg9 : memref<128x32xf32, #tpu.memory_space<vmem>>) target(%dma_start3A_76 : memref<10240x32xf32, #tpu.memory_space<vmem_shared>>) offsets(%dma_start3A_73 : memref<128xi32, #tpu.memory_space<vmem>>) semaphore(%arg16 : memref<!tpu.dma_semaphore, #tpu.memory_space<semaphore_mem>>) {add = true}
      %dma_wait3A_77 = arith.constant 0 : i32
      %dma_wait3A_78 = arith.constant 0 : i32
      %dma_wait3A_79 = tpu.memref_slice %arg7[%dma_wait3A_77, %dma_wait3A_78] : memref<80x128xi32, #tpu.memory_space<vmem>> -> memref<1x128xi32, #tpu.memory_space<vmem>>
      %dma_wait3A_80 = tpu.memref_squeeze %dma_wait3A_79 : memref<1x128xi32, #tpu.memory_space<vmem>> -> memref<128xi32, #tpu.memory_space<vmem>>
      %dma_wait3A_81 = arith.constant 0 : i32
      %dma_wait3A_82 = arith.constant 0 : i32
      %dma_wait3A_83 = tpu.memref_slice %arg13[%dma_wait3A_81, %dma_wait3A_82] : memref<10000x32xf32, #tpu.memory_space<vmem_shared>> -> memref<10000x32xf32, #tpu.memory_space<vmem_shared>>
      tpu.wait_indirect_dma semaphore(%arg15 : memref<!tpu.dma_semaphore, #tpu.memory_space<semaphore_mem>>) src(%dma_wait3A_83 : memref<10000x32xf32, #tpu.memory_space<vmem_shared>>) dst(%arg10 : memref<128x32xf32, #tpu.memory_space<vmem>>)
      %gt3A_84 = arith.constant 0 : i32
      %gt3A_85 = arith.cmpi sgt, %scan3A_47, %gt3A_84 : i32
      %convert_element_type3A_86 = arith.extui %gt3A_85 : i1 to i32
      %cond3A_87 = arith.constant 0 : i32
      %cond3A_88 = arith.cmpi ne, %convert_element_type3A_86, %cond3A_87 : i32
      scf.if %cond3A_88 {
        %dma_wait3A_168 = arith.constant 0 : i32
        %dma_wait3A_169 = arith.constant 0 : i32
        %dma_wait3A_170 = tpu.memref_slice %arg8[%dma_wait3A_168, %dma_wait3A_169] : memref<80x128xi32, #tpu.memory_space<vmem>> -> memref<1x128xi32, #tpu.memory_space<vmem>>
        %dma_wait3A_171 = tpu.memref_squeeze %dma_wait3A_170 : memref<1x128xi32, #tpu.memory_space<vmem>> -> memref<128xi32, #tpu.memory_space<vmem>>
        %dma_wait3A_172 = arith.constant 0 : i32
        %dma_wait3A_173 = arith.constant 0 : i32
        %dma_wait3A_174 = tpu.memref_slice %arg14[%dma_wait3A_172, %dma_wait3A_173] : memref<10240x32xf32, #tpu.memory_space<vmem_shared>> -> memref<10240x32xf32, #tpu.memory_space<vmem_shared>>
        tpu.wait_indirect_dma semaphore(%arg16 : memref<!tpu.dma_semaphore, #tpu.memory_space<semaphore_mem>>) src(%arg12 : memref<128x32xf32, #tpu.memory_space<vmem>>) dst(%dma_wait3A_174 : memref<10240x32xf32, #tpu.memory_space<vmem_shared>>)
      } else {
      }
      %add3A_89 = arith.constant 1 : i32
      %add3A_90 = arith.addi %mul3A_49, %add3A_89 : i32
      %add3A_91 = arith.constant 2 : i32
      %add3A_92 = arith.addi %add3A_90, %add3A_91 : i32
      %dma_start3A_93 = arith.constant 0 : i32
      %dma_start3A_94 = tpu.memref_slice %arg7[%add3A_92, %dma_start3A_93] : memref<80x128xi32, #tpu.memory_space<vmem>> -> memref<1x128xi32, #tpu.memory_space<vmem>>
      %dma_start3A_95 = tpu.memref_squeeze %dma_start3A_94 : memref<1x128xi32, #tpu.memory_space<vmem>> -> memref<128xi32, #tpu.memory_space<vmem>>
      %dma_start3A_96 = arith.constant 0 : i32
      %dma_start3A_97 = arith.constant 0 : i32
      %dma_start3A_98 = tpu.memref_slice %arg13[%dma_start3A_96, %dma_start3A_97] : memref<10000x32xf32, #tpu.memory_space<vmem_shared>> -> memref<10000x32xf32, #tpu.memory_space<vmem_shared>>
      tpu.enqueue_indirect_dma source(%dma_start3A_98 : memref<10000x32xf32, #tpu.memory_space<vmem_shared>>) target(%arg12 : memref<128x32xf32, #tpu.memory_space<vmem>>) offsets(%dma_start3A_95 : memref<128xi32, #tpu.memory_space<vmem>>) semaphore(%arg15 : memref<!tpu.dma_semaphore, #tpu.memory_space<semaphore_mem>>)
      %add3A_99 = arith.constant 1 : i32
      %add3A_100 = arith.addi %mul3A_49, %add3A_99 : i32
      %dma_start3A_101 = arith.constant 0 : i32
      %dma_start3A_102 = tpu.memref_slice %arg8[%add3A_100, %dma_start3A_101] : memref<80x128xi32, #tpu.memory_space<vmem>> -> memref<1x128xi32, #tpu.memory_space<vmem>>
      %dma_start3A_103 = tpu.memref_squeeze %dma_start3A_102 : memref<1x128xi32, #tpu.memory_space<vmem>> -> memref<128xi32, #tpu.memory_space<vmem>>
      %dma_start3A_104 = arith.constant 0 : i32
      %dma_start3A_105 = arith.constant 0 : i32
      %dma_start3A_106 = tpu.memref_slice %arg14[%dma_start3A_104, %dma_start3A_105] : memref<10240x32xf32, #tpu.memory_space<vmem_shared>> -> memref<10240x32xf32, #tpu.memory_space<vmem_shared>>
      tpu.enqueue_indirect_dma source(%arg10 : memref<128x32xf32, #tpu.memory_space<vmem>>) target(%dma_start3A_106 : memref<10240x32xf32, #tpu.memory_space<vmem_shared>>) offsets(%dma_start3A_103 : memref<128xi32, #tpu.memory_space<vmem>>) semaphore(%arg16 : memref<!tpu.dma_semaphore, #tpu.memory_space<semaphore_mem>>) {add = true}
      %dma_wait3A_107 = arith.constant 0 : i32
      %dma_wait3A_108 = arith.constant 0 : i32
      %dma_wait3A_109 = tpu.memref_slice %arg7[%dma_wait3A_107, %dma_wait3A_108] : memref<80x128xi32, #tpu.memory_space<vmem>> -> memref<1x128xi32, #tpu.memory_space<vmem>>
      %dma_wait3A_110 = tpu.memref_squeeze %dma_wait3A_109 : memref<1x128xi32, #tpu.memory_space<vmem>> -> memref<128xi32, #tpu.memory_space<vmem>>
      %dma_wait3A_111 = arith.constant 0 : i32
      %dma_wait3A_112 = arith.constant 0 : i32
      %dma_wait3A_113 = tpu.memref_slice %arg13[%dma_wait3A_111, %dma_wait3A_112] : memref<10000x32xf32, #tpu.memory_space<vmem_shared>> -> memref<10000x32xf32, #tpu.memory_space<vmem_shared>>
      tpu.wait_indirect_dma semaphore(%arg15 : memref<!tpu.dma_semaphore, #tpu.memory_space<semaphore_mem>>) src(%dma_wait3A_113 : memref<10000x32xf32, #tpu.memory_space<vmem_shared>>) dst(%arg11 : memref<128x32xf32, #tpu.memory_space<vmem>>)
      %dma_wait3A_114 = arith.constant 0 : i32
      %dma_wait3A_115 = arith.constant 0 : i32
      %dma_wait3A_116 = tpu.memref_slice %arg8[%dma_wait3A_114, %dma_wait3A_115] : memref<80x128xi32, #tpu.memory_space<vmem>> -> memref<1x128xi32, #tpu.memory_space<vmem>>
      %dma_wait3A_117 = tpu.memref_squeeze %dma_wait3A_116 : memref<1x128xi32, #tpu.memory_space<vmem>> -> memref<128xi32, #tpu.memory_space<vmem>>
      %dma_wait3A_118 = arith.constant 0 : i32
      %dma_wait3A_119 = arith.constant 0 : i32
      %dma_wait3A_120 = tpu.memref_slice %arg14[%dma_wait3A_118, %dma_wait3A_119] : memref<10240x32xf32, #tpu.memory_space<vmem_shared>> -> memref<10240x32xf32, #tpu.memory_space<vmem_shared>>
      tpu.wait_indirect_dma semaphore(%arg16 : memref<!tpu.dma_semaphore, #tpu.memory_space<semaphore_mem>>) src(%arg9 : memref<128x32xf32, #tpu.memory_space<vmem>>) dst(%dma_wait3A_120 : memref<10240x32xf32, #tpu.memory_space<vmem_shared>>)
      %lt3A = arith.constant 19 : i32
      %lt3A_121 = arith.cmpi slt, %scan3A_47, %lt3A : i32
      %add3A_122 = arith.constant 2 : i32
      %add3A_123 = arith.addi %mul3A_49, %add3A_122 : i32
      %add3A_124 = arith.constant 2 : i32
      %add3A_125 = arith.addi %add3A_123, %add3A_124 : i32
      %convert_element_type3A_126 = arith.extui %lt3A_121 : i1 to i32
      %cond3A_127 = arith.constant 0 : i32
      %cond3A_128 = arith.cmpi ne, %convert_element_type3A_126, %cond3A_127 : i32
      scf.if %cond3A_128 {
        %dma_start3A_168 = arith.constant 0 : i32
        %dma_start3A_169 = tpu.memref_slice %arg7[%add3A_125, %dma_start3A_168] : memref<80x128xi32, #tpu.memory_space<vmem>> -> memref<1x128xi32, #tpu.memory_space<vmem>>
        %dma_start3A_170 = tpu.memref_squeeze %dma_start3A_169 : memref<1x128xi32, #tpu.memory_space<vmem>> -> memref<128xi32, #tpu.memory_space<vmem>>
        %dma_start3A_171 = arith.constant 0 : i32
        %dma_start3A_172 = arith.constant 0 : i32
        %dma_start3A_173 = tpu.memref_slice %arg13[%dma_start3A_171, %dma_start3A_172] : memref<10000x32xf32, #tpu.memory_space<vmem_shared>> -> memref<10000x32xf32, #tpu.memory_space<vmem_shared>>
        tpu.enqueue_indirect_dma source(%dma_start3A_173 : memref<10000x32xf32, #tpu.memory_space<vmem_shared>>) target(%arg9 : memref<128x32xf32, #tpu.memory_space<vmem>>) offsets(%dma_start3A_170 : memref<128xi32, #tpu.memory_space<vmem>>) semaphore(%arg15 : memref<!tpu.dma_semaphore, #tpu.memory_space<semaphore_mem>>)
      } else {
      }
      %add3A_129 = arith.constant 2 : i32
      %add3A_130 = arith.addi %mul3A_49, %add3A_129 : i32
      %dma_start3A_131 = arith.constant 0 : i32
      %dma_start3A_132 = tpu.memref_slice %arg8[%add3A_130, %dma_start3A_131] : memref<80x128xi32, #tpu.memory_space<vmem>> -> memref<1x128xi32, #tpu.memory_space<vmem>>
      %dma_start3A_133 = tpu.memref_squeeze %dma_start3A_132 : memref<1x128xi32, #tpu.memory_space<vmem>> -> memref<128xi32, #tpu.memory_space<vmem>>
      %dma_start3A_134 = arith.constant 0 : i32
      %dma_start3A_135 = arith.constant 0 : i32
      %dma_start3A_136 = tpu.memref_slice %arg14[%dma_start3A_134, %dma_start3A_135] : memref<10240x32xf32, #tpu.memory_space<vmem_shared>> -> memref<10240x32xf32, #tpu.memory_space<vmem_shared>>
      tpu.enqueue_indirect_dma source(%arg11 : memref<128x32xf32, #tpu.memory_space<vmem>>) target(%dma_start3A_136 : memref<10240x32xf32, #tpu.memory_space<vmem_shared>>) offsets(%dma_start3A_133 : memref<128xi32, #tpu.memory_space<vmem>>) semaphore(%arg16 : memref<!tpu.dma_semaphore, #tpu.memory_space<semaphore_mem>>) {add = true}
      %dma_wait3A_137 = arith.constant 0 : i32
      %dma_wait3A_138 = arith.constant 0 : i32
      %dma_wait3A_139 = tpu.memref_slice %arg7[%dma_wait3A_137, %dma_wait3A_138] : memref<80x128xi32, #tpu.memory_space<vmem>> -> memref<1x128xi32, #tpu.memory_space<vmem>>
      %dma_wait3A_140 = tpu.memref_squeeze %dma_wait3A_139 : memref<1x128xi32, #tpu.memory_space<vmem>> -> memref<128xi32, #tpu.memory_space<vmem>>
      %dma_wait3A_141 = arith.constant 0 : i32
      %dma_wait3A_142 = arith.constant 0 : i32
      %dma_wait3A_143 = tpu.memref_slice %arg13[%dma_wait3A_141, %dma_wait3A_142] : memref<10000x32xf32, #tpu.memory_space<vmem_shared>> -> memref<10000x32xf32, #tpu.memory_space<vmem_shared>>
      tpu.wait_indirect_dma semaphore(%arg15 : memref<!tpu.dma_semaphore, #tpu.memory_space<semaphore_mem>>) src(%dma_wait3A_143 : memref<10000x32xf32, #tpu.memory_space<vmem_shared>>) dst(%arg12 : memref<128x32xf32, #tpu.memory_space<vmem>>)
      %dma_wait3A_144 = arith.constant 0 : i32
      %dma_wait3A_145 = arith.constant 0 : i32
      %dma_wait3A_146 = tpu.memref_slice %arg8[%dma_wait3A_144, %dma_wait3A_145] : memref<80x128xi32, #tpu.memory_space<vmem>> -> memref<1x128xi32, #tpu.memory_space<vmem>>
      %dma_wait3A_147 = tpu.memref_squeeze %dma_wait3A_146 : memref<1x128xi32, #tpu.memory_space<vmem>> -> memref<128xi32, #tpu.memory_space<vmem>>
      %dma_wait3A_148 = arith.constant 0 : i32
      %dma_wait3A_149 = arith.constant 0 : i32
      %dma_wait3A_150 = tpu.memref_slice %arg14[%dma_wait3A_148, %dma_wait3A_149] : memref<10240x32xf32, #tpu.memory_space<vmem_shared>> -> memref<10240x32xf32, #tpu.memory_space<vmem_shared>>
      tpu.wait_indirect_dma semaphore(%arg16 : memref<!tpu.dma_semaphore, #tpu.memory_space<semaphore_mem>>) src(%arg10 : memref<128x32xf32, #tpu.memory_space<vmem>>) dst(%dma_wait3A_150 : memref<10240x32xf32, #tpu.memory_space<vmem_shared>>)
      %lt3A_151 = arith.constant 19 : i32
      %lt3A_152 = arith.cmpi slt, %scan3A_47, %lt3A_151 : i32
      %add3A_153 = arith.constant 3 : i32
      %add3A_154 = arith.addi %mul3A_49, %add3A_153 : i32
      %add3A_155 = arith.constant 2 : i32
      %add3A_156 = arith.addi %add3A_154, %add3A_155 : i32
      %convert_element_type3A_157 = arith.extui %lt3A_152 : i1 to i32
      %cond3A_158 = arith.constant 0 : i32
      %cond3A_159 = arith.cmpi ne, %convert_element_type3A_157, %cond3A_158 : i32
      scf.if %cond3A_159 {
        %dma_start3A_168 = arith.constant 0 : i32
        %dma_start3A_169 = tpu.memref_slice %arg7[%add3A_156, %dma_start3A_168] : memref<80x128xi32, #tpu.memory_space<vmem>> -> memref<1x128xi32, #tpu.memory_space<vmem>>
        %dma_start3A_170 = tpu.memref_squeeze %dma_start3A_169 : memref<1x128xi32, #tpu.memory_space<vmem>> -> memref<128xi32, #tpu.memory_space<vmem>>
        %dma_start3A_171 = arith.constant 0 : i32
        %dma_start3A_172 = arith.constant 0 : i32
        %dma_start3A_173 = tpu.memref_slice %arg13[%dma_start3A_171, %dma_start3A_172] : memref<10000x32xf32, #tpu.memory_space<vmem_shared>> -> memref<10000x32xf32, #tpu.memory_space<vmem_shared>>
        tpu.enqueue_indirect_dma source(%dma_start3A_173 : memref<10000x32xf32, #tpu.memory_space<vmem_shared>>) target(%arg10 : memref<128x32xf32, #tpu.memory_space<vmem>>) offsets(%dma_start3A_170 : memref<128xi32, #tpu.memory_space<vmem>>) semaphore(%arg15 : memref<!tpu.dma_semaphore, #tpu.memory_space<semaphore_mem>>)
      } else {
      }
      %add3A_160 = arith.constant 3 : i32
      %add3A_161 = arith.addi %mul3A_49, %add3A_160 : i32
      %dma_start3A_162 = arith.constant 0 : i32
      %dma_start3A_163 = tpu.memref_slice %arg8[%add3A_161, %dma_start3A_162] : memref<80x128xi32, #tpu.memory_space<vmem>> -> memref<1x128xi32, #tpu.memory_space<vmem>>
      %dma_start3A_164 = tpu.memref_squeeze %dma_start3A_163 : memref<1x128xi32, #tpu.memory_space<vmem>> -> memref<128xi32, #tpu.memory_space<vmem>>
      %dma_start3A_165 = arith.constant 0 : i32
      %dma_start3A_166 = arith.constant 0 : i32
      %dma_start3A_167 = tpu.memref_slice %arg14[%dma_start3A_165, %dma_start3A_166] : memref<10240x32xf32, #tpu.memory_space<vmem_shared>> -> memref<10240x32xf32, #tpu.memory_space<vmem_shared>>
      tpu.enqueue_indirect_dma source(%arg12 : memref<128x32xf32, #tpu.memory_space<vmem>>) target(%dma_start3A_167 : memref<10240x32xf32, #tpu.memory_space<vmem_shared>>) offsets(%dma_start3A_164 : memref<128xi32, #tpu.memory_space<vmem>>) semaphore(%arg16 : memref<!tpu.dma_semaphore, #tpu.memory_space<semaphore_mem>>) {add = true}
    }
    %scan3A_28 = arith.constant 20 : i32
    %dma_wait3A = arith.constant 0 : i32
    %dma_wait3A_29 = arith.constant 0 : i32
    %dma_wait3A_30 = tpu.memref_slice %arg8[%dma_wait3A, %dma_wait3A_29] : memref<80x128xi32, #tpu.memory_space<vmem>> -> memref<1x128xi32, #tpu.memory_space<vmem>>
    %dma_wait3A_31 = tpu.memref_squeeze %dma_wait3A_30 : memref<1x128xi32, #tpu.memory_space<vmem>> -> memref<128xi32, #tpu.memory_space<vmem>>
    %dma_wait3A_32 = arith.constant 0 : i32
    %dma_wait3A_33 = arith.constant 0 : i32
    %dma_wait3A_34 = tpu.memref_slice %arg14[%dma_wait3A_32, %dma_wait3A_33] : memref<10240x32xf32, #tpu.memory_space<vmem_shared>> -> memref<10240x32xf32, #tpu.memory_space<vmem_shared>>
    tpu.wait_indirect_dma semaphore(%arg16 : memref<!tpu.dma_semaphore, #tpu.memory_space<semaphore_mem>>) src(%arg11 : memref<128x32xf32, #tpu.memory_space<vmem>>) dst(%dma_wait3A_34 : memref<10240x32xf32, #tpu.memory_space<vmem_shared>>)
    %dma_wait3A_35 = arith.constant 0 : i32
    %dma_wait3A_36 = arith.constant 0 : i32
    %dma_wait3A_37 = tpu.memref_slice %arg8[%dma_wait3A_35, %dma_wait3A_36] : memref<80x128xi32, #tpu.memory_space<vmem>> -> memref<1x128xi32, #tpu.memory_space<vmem>>
    %dma_wait3A_38 = tpu.memref_squeeze %dma_wait3A_37 : memref<1x128xi32, #tpu.memory_space<vmem>> -> memref<128xi32, #tpu.memory_space<vmem>>
    %dma_wait3A_39 = arith.constant 0 : i32
    %dma_wait3A_40 = arith.constant 0 : i32
    %dma_wait3A_41 = tpu.memref_slice %arg14[%dma_wait3A_39, %dma_wait3A_40] : memref<10240x32xf32, #tpu.memory_space<vmem_shared>> -> memref<10240x32xf32, #tpu.memory_space<vmem_shared>>
    tpu.wait_indirect_dma semaphore(%arg16 : memref<!tpu.dma_semaphore, #tpu.memory_space<semaphore_mem>>) src(%arg12 : memref<128x32xf32, #tpu.memory_space<vmem>>) dst(%dma_wait3A_41 : memref<10240x32xf32, #tpu.memory_space<vmem_shared>>)
    %barrier3A_42 = arith.constant 0 : index
    tpu.barrier barrier_id(%barrier3A_42)
    %mul3A_43 = arith.constant 625 : i32
    %mul3A_44 = arith.muli %arg1, %mul3A_43 : i32
    %mul3A_45 = arith.constant 625 : i32
    %mul3A_46 = arith.muli %arg1, %mul3A_45 : i32
    "tpu.region"() ({
      %run_scoped3A = tpu.sem_alloc : memref<!tpu.dma_semaphore, #tpu.memory_space<semaphore_mem>>
      %dma_start3A_47 = arith.constant 0 : i32
      %dma_start3A_48 = tpu.memref_slice %arg6[%arg0, %mul3A_46, %dma_start3A_47] : memref<2x10000x32xf32, #tpu.memory_space<hbm>> -> memref<1x625x32xf32, #tpu.memory_space<hbm>>
      %dma_start3A_49 = tpu.memref_squeeze %dma_start3A_48 : memref<1x625x32xf32, #tpu.memory_space<hbm>> -> memref<625x32xf32, #tpu.memory_space<hbm>>
      %dma_start3A_50 = arith.constant 0 : i32
      %dma_start3A_51 = tpu.memref_slice %arg14[%mul3A_44, %dma_start3A_50] : memref<10240x32xf32, #tpu.memory_space<vmem_shared>> -> memref<625x32xf32, #tpu.memory_space<vmem_shared>>
      tpu.enqueue_dma source(%dma_start3A_51 : memref<625x32xf32, #tpu.memory_space<vmem_shared>>) target(%dma_start3A_49 : memref<625x32xf32, #tpu.memory_space<hbm>>) target_semaphore(%run_scoped3A : memref<!tpu.dma_semaphore, #tpu.memory_space<semaphore_mem>>)
      %dma_wait3A_52 = arith.constant 0 : i32
      %dma_wait3A_53 = tpu.memref_slice %arg6[%arg0, %mul3A_46, %dma_wait3A_52] : memref<2x10000x32xf32, #tpu.memory_space<hbm>> -> memref<1x625x32xf32, #tpu.memory_space<hbm>>
      %dma_wait3A_54 = tpu.memref_squeeze %dma_wait3A_53 : memref<1x625x32xf32, #tpu.memory_space<hbm>> -> memref<625x32xf32, #tpu.memory_space<hbm>>
      %dma_wait3A_55 = arith.constant 0 : i32
      %dma_wait3A_56 = tpu.memref_slice %arg14[%mul3A_44, %dma_wait3A_55] : memref<10240x32xf32, #tpu.memory_space<vmem_shared>> -> memref<625x32xf32, #tpu.memory_space<vmem_shared>>
      tpu.wait_dma2 semaphore(%run_scoped3A : memref<!tpu.dma_semaphore, #tpu.memory_space<semaphore_mem>>) src(%dma_wait3A_56 : memref<625x32xf32, #tpu.memory_space<vmem_shared>>) dst(%dma_wait3A_54 : memref<625x32xf32, #tpu.memory_space<hbm>>)
      tpu.yield
    }) : () -> ()
    return
  }
}

#map = affine_map<(d0, d1) -> (0, 0)>
#map1 = affine_map<(d0, d1) -> (0, 0, 0)>
module attributes {stable_mosaic.version = 14 : i64} {
  func.func @agg(%arg0: i32, %arg1: i32, %arg2: memref<10000x48xf32, #tpu.memory_space<hbm>>, %arg3: memref<2560x128xi32, #tpu.memory_space<hbm>>, %arg4: memref<2560x128xi32, #tpu.memory_space<hbm>>, %arg5: memref<10000x48xf32, #tpu.memory_space<hbm>>, %arg6: memref<2x10000x48xf32, #tpu.memory_space<hbm>>, %arg7: memref<80x128xi32, #tpu.memory_space<vmem>>, %arg8: memref<80x128xi32, #tpu.memory_space<vmem>>, %arg9: memref<128x48xf32, #tpu.memory_space<vmem>>, %arg10: memref<128x48xf32, #tpu.memory_space<vmem>>, %arg11: memref<128x48xf32, #tpu.memory_space<vmem>>, %arg12: memref<128x48xf32, #tpu.memory_space<vmem>>, %arg13: memref<10000x48xf32, #tpu.memory_space<vmem_shared>>, %arg14: memref<10240x48xf32, #tpu.memory_space<vmem_shared>>, %arg15: memref<!tpu.dma_semaphore, #tpu.memory_space<semaphore_mem>>, %arg16: memref<!tpu.dma_semaphore, #tpu.memory_space<semaphore_mem>>) attributes {dimension_semantics = [#tpu.dimension_semantics<core_parallel>, #tpu.dimension_semantics<subcore_parallel>], iteration_bounds = array<i64: 2, 16>, scalar_prefetch = 0 : i64, scratch_operands = 10 : i64, tpu.core_type = #tpu.core_type<sc_vector_subcore>, window_params = [{transform_indices = #map}, {transform_indices = #map}, {transform_indices = #map}, {transform_indices = #map}, {transform_indices = #map1}]} {
    %mul3A = arith.constant 16 : i32
    %mul3A_0 = arith.muli %arg0, %mul3A : i32
    %add3A = arith.addi %mul3A_0, %arg1 : i32
    %mul3A_1 = arith.constant 625 : i32
    %mul3A_2 = arith.muli %arg1, %mul3A_1 : i32
    %mul3A_3 = arith.constant 625 : i32
    %mul3A_4 = arith.muli %arg1, %mul3A_3 : i32
    "tpu.region"() ({
      %run_scoped3A = tpu.sem_alloc : memref<!tpu.dma_semaphore, #tpu.memory_space<semaphore_mem>>
      %dma_start3A_47 = arith.constant 0 : i32
      %dma_start3A_48 = tpu.memref_slice %arg13[%mul3A_4, %dma_start3A_47] : memref<10000x48xf32, #tpu.memory_space<vmem_shared>> -> memref<625x48xf32, #tpu.memory_space<vmem_shared>>
      %dma_start3A_49 = arith.constant 0 : i32
      %dma_start3A_50 = tpu.memref_slice %arg2[%mul3A_2, %dma_start3A_49] : memref<10000x48xf32, #tpu.memory_space<hbm>> -> memref<625x48xf32, #tpu.memory_space<hbm>>
      tpu.enqueue_dma source(%dma_start3A_50 : memref<625x48xf32, #tpu.memory_space<hbm>>) target(%dma_start3A_48 : memref<625x48xf32, #tpu.memory_space<vmem_shared>>) target_semaphore(%run_scoped3A : memref<!tpu.dma_semaphore, #tpu.memory_space<semaphore_mem>>)
      %dma_wait3A_51 = arith.constant 0 : i32
      %dma_wait3A_52 = tpu.memref_slice %arg13[%mul3A_4, %dma_wait3A_51] : memref<10000x48xf32, #tpu.memory_space<vmem_shared>> -> memref<625x48xf32, #tpu.memory_space<vmem_shared>>
      %dma_wait3A_53 = arith.constant 0 : i32
      %dma_wait3A_54 = tpu.memref_slice %arg2[%mul3A_2, %dma_wait3A_53] : memref<10000x48xf32, #tpu.memory_space<hbm>> -> memref<625x48xf32, #tpu.memory_space<hbm>>
      tpu.wait_dma2 semaphore(%run_scoped3A : memref<!tpu.dma_semaphore, #tpu.memory_space<semaphore_mem>>) src(%dma_wait3A_54 : memref<625x48xf32, #tpu.memory_space<hbm>>) dst(%dma_wait3A_52 : memref<625x48xf32, #tpu.memory_space<vmem_shared>>)
      tpu.yield
    }) : () -> ()
    %mul3A_5 = arith.constant 625 : i32
    %mul3A_6 = arith.muli %arg1, %mul3A_5 : i32
    %mul3A_7 = arith.constant 625 : i32
    %mul3A_8 = arith.muli %arg1, %mul3A_7 : i32
    "tpu.region"() ({
      %run_scoped3A = tpu.sem_alloc : memref<!tpu.dma_semaphore, #tpu.memory_space<semaphore_mem>>
      %dma_start3A_47 = arith.constant 0 : i32
      %dma_start3A_48 = tpu.memref_slice %arg14[%mul3A_8, %dma_start3A_47] : memref<10240x48xf32, #tpu.memory_space<vmem_shared>> -> memref<625x48xf32, #tpu.memory_space<vmem_shared>>
      %dma_start3A_49 = arith.constant 0 : i32
      %dma_start3A_50 = tpu.memref_slice %arg5[%mul3A_6, %dma_start3A_49] : memref<10000x48xf32, #tpu.memory_space<hbm>> -> memref<625x48xf32, #tpu.memory_space<hbm>>
      tpu.enqueue_dma source(%dma_start3A_50 : memref<625x48xf32, #tpu.memory_space<hbm>>) target(%dma_start3A_48 : memref<625x48xf32, #tpu.memory_space<vmem_shared>>) target_semaphore(%run_scoped3A : memref<!tpu.dma_semaphore, #tpu.memory_space<semaphore_mem>>)
      %dma_wait3A_51 = arith.constant 0 : i32
      %dma_wait3A_52 = tpu.memref_slice %arg14[%mul3A_8, %dma_wait3A_51] : memref<10240x48xf32, #tpu.memory_space<vmem_shared>> -> memref<625x48xf32, #tpu.memory_space<vmem_shared>>
      %dma_wait3A_53 = arith.constant 0 : i32
      %dma_wait3A_54 = tpu.memref_slice %arg5[%mul3A_6, %dma_wait3A_53] : memref<10000x48xf32, #tpu.memory_space<hbm>> -> memref<625x48xf32, #tpu.memory_space<hbm>>
      tpu.wait_dma2 semaphore(%run_scoped3A : memref<!tpu.dma_semaphore, #tpu.memory_space<semaphore_mem>>) src(%dma_wait3A_54 : memref<625x48xf32, #tpu.memory_space<hbm>>) dst(%dma_wait3A_52 : memref<625x48xf32, #tpu.memory_space<vmem_shared>>)
      tpu.yield
    }) : () -> ()
    %mul3A_9 = arith.constant 80 : i32
    %mul3A_10 = arith.muli %add3A, %mul3A_9 : i32
    "tpu.region"() ({
      %run_scoped3A = tpu.sem_alloc : memref<!tpu.dma_semaphore, #tpu.memory_space<semaphore_mem>>
      %dma_start3A_47 = arith.constant 0 : i32
      %dma_start3A_48 = tpu.memref_slice %arg3[%mul3A_10, %dma_start3A_47] : memref<2560x128xi32, #tpu.memory_space<hbm>> -> memref<80x128xi32, #tpu.memory_space<hbm>>
      %dma_start3A_49 = arith.constant 0 : i32
      %dma_start3A_50 = tpu.memref_slice %arg3[%mul3A_10, %dma_start3A_49] : memref<2560x128xi32, #tpu.memory_space<hbm>> -> memref<80x128xi32, #tpu.memory_space<hbm>>
      tpu.enqueue_dma source(%dma_start3A_50 : memref<80x128xi32, #tpu.memory_space<hbm>>) target(%arg7 : memref<80x128xi32, #tpu.memory_space<vmem>>) target_semaphore(%run_scoped3A : memref<!tpu.dma_semaphore, #tpu.memory_space<semaphore_mem>>)
      %dma_wait3A_51 = arith.constant 0 : i32
      %dma_wait3A_52 = tpu.memref_slice %arg3[%mul3A_10, %dma_wait3A_51] : memref<2560x128xi32, #tpu.memory_space<hbm>> -> memref<80x128xi32, #tpu.memory_space<hbm>>
      %dma_wait3A_53 = arith.constant 0 : i32
      %dma_wait3A_54 = tpu.memref_slice %arg3[%mul3A_10, %dma_wait3A_53] : memref<2560x128xi32, #tpu.memory_space<hbm>> -> memref<80x128xi32, #tpu.memory_space<hbm>>
      tpu.wait_dma2 semaphore(%run_scoped3A : memref<!tpu.dma_semaphore, #tpu.memory_space<semaphore_mem>>) src(%dma_wait3A_54 : memref<80x128xi32, #tpu.memory_space<hbm>>) dst(%arg7 : memref<80x128xi32, #tpu.memory_space<vmem>>)
      tpu.yield
    }) : () -> ()
    "tpu.region"() ({
      %run_scoped3A = tpu.sem_alloc : memref<!tpu.dma_semaphore, #tpu.memory_space<semaphore_mem>>
      %dma_start3A_47 = arith.constant 0 : i32
      %dma_start3A_48 = tpu.memref_slice %arg4[%mul3A_10, %dma_start3A_47] : memref<2560x128xi32, #tpu.memory_space<hbm>> -> memref<80x128xi32, #tpu.memory_space<hbm>>
      %dma_start3A_49 = arith.constant 0 : i32
      %dma_start3A_50 = tpu.memref_slice %arg4[%mul3A_10, %dma_start3A_49] : memref<2560x128xi32, #tpu.memory_space<hbm>> -> memref<80x128xi32, #tpu.memory_space<hbm>>
      tpu.enqueue_dma source(%dma_start3A_50 : memref<80x128xi32, #tpu.memory_space<hbm>>) target(%arg8 : memref<80x128xi32, #tpu.memory_space<vmem>>) target_semaphore(%run_scoped3A : memref<!tpu.dma_semaphore, #tpu.memory_space<semaphore_mem>>)
      %dma_wait3A_51 = arith.constant 0 : i32
      %dma_wait3A_52 = tpu.memref_slice %arg4[%mul3A_10, %dma_wait3A_51] : memref<2560x128xi32, #tpu.memory_space<hbm>> -> memref<80x128xi32, #tpu.memory_space<hbm>>
      %dma_wait3A_53 = arith.constant 0 : i32
      %dma_wait3A_54 = tpu.memref_slice %arg4[%mul3A_10, %dma_wait3A_53] : memref<2560x128xi32, #tpu.memory_space<hbm>> -> memref<80x128xi32, #tpu.memory_space<hbm>>
      tpu.wait_dma2 semaphore(%run_scoped3A : memref<!tpu.dma_semaphore, #tpu.memory_space<semaphore_mem>>) src(%dma_wait3A_54 : memref<80x128xi32, #tpu.memory_space<hbm>>) dst(%arg8 : memref<80x128xi32, #tpu.memory_space<vmem>>)
      tpu.yield
    }) : () -> ()
    %barrier3A = arith.constant 0 : index
    tpu.barrier barrier_id(%barrier3A)
    %dma_start3A = arith.constant 0 : i32
    %dma_start3A_11 = arith.constant 0 : i32
    %dma_start3A_12 = tpu.memref_slice %arg7[%dma_start3A, %dma_start3A_11] : memref<80x128xi32, #tpu.memory_space<vmem>> -> memref<1x128xi32, #tpu.memory_space<vmem>>
    %dma_start3A_13 = tpu.memref_squeeze %dma_start3A_12 : memref<1x128xi32, #tpu.memory_space<vmem>> -> memref<128xi32, #tpu.memory_space<vmem>>
    %dma_start3A_14 = arith.constant 0 : i32
    %dma_start3A_15 = arith.constant 0 : i32
    %dma_start3A_16 = tpu.memref_slice %arg13[%dma_start3A_14, %dma_start3A_15] : memref<10000x48xf32, #tpu.memory_space<vmem_shared>> -> memref<10000x48xf32, #tpu.memory_space<vmem_shared>>
    tpu.enqueue_indirect_dma source(%dma_start3A_16 : memref<10000x48xf32, #tpu.memory_space<vmem_shared>>) target(%arg9 : memref<128x48xf32, #tpu.memory_space<vmem>>) offsets(%dma_start3A_13 : memref<128xi32, #tpu.memory_space<vmem>>) semaphore(%arg15 : memref<!tpu.dma_semaphore, #tpu.memory_space<semaphore_mem>>)
    %dma_start3A_17 = arith.constant 1 : i32
    %dma_start3A_18 = arith.constant 0 : i32
    %dma_start3A_19 = tpu.memref_slice %arg7[%dma_start3A_17, %dma_start3A_18] : memref<80x128xi32, #tpu.memory_space<vmem>> -> memref<1x128xi32, #tpu.memory_space<vmem>>
    %dma_start3A_20 = tpu.memref_squeeze %dma_start3A_19 : memref<1x128xi32, #tpu.memory_space<vmem>> -> memref<128xi32, #tpu.memory_space<vmem>>
    %dma_start3A_21 = arith.constant 0 : i32
    %dma_start3A_22 = arith.constant 0 : i32
    %dma_start3A_23 = tpu.memref_slice %arg13[%dma_start3A_21, %dma_start3A_22] : memref<10000x48xf32, #tpu.memory_space<vmem_shared>> -> memref<10000x48xf32, #tpu.memory_space<vmem_shared>>
    tpu.enqueue_indirect_dma source(%dma_start3A_23 : memref<10000x48xf32, #tpu.memory_space<vmem_shared>>) target(%arg10 : memref<128x48xf32, #tpu.memory_space<vmem>>) offsets(%dma_start3A_20 : memref<128xi32, #tpu.memory_space<vmem>>) semaphore(%arg15 : memref<!tpu.dma_semaphore, #tpu.memory_space<semaphore_mem>>)
    %scan3A = arith.constant 0 : i32
    %scan3A_24 = arith.constant 0 : i32
    %scan3A_25 = arith.constant 20 : i32
    %scan3A_26 = arith.addi %scan3A_24, %scan3A_25 : i32
    %scan3A_27 = arith.constant 1 : i32
    scf.for %scan3A_47 = %scan3A_24 to %scan3A_26 step %scan3A_27  : i32 {
      %mul3A_48 = arith.constant 4 : i32
      %mul3A_49 = arith.muli %mul3A_48, %scan3A_47 : i32
      %dma_wait3A_50 = arith.constant 0 : i32
      %dma_wait3A_51 = arith.constant 0 : i32
      %dma_wait3A_52 = tpu.memref_slice %arg7[%dma_wait3A_50, %dma_wait3A_51] : memref<80x128xi32, #tpu.memory_space<vmem>> -> memref<1x128xi32, #tpu.memory_space<vmem>>
      %dma_wait3A_53 = tpu.memref_squeeze %dma_wait3A_52 : memref<1x128xi32, #tpu.memory_space<vmem>> -> memref<128xi32, #tpu.memory_space<vmem>>
      %dma_wait3A_54 = arith.constant 0 : i32
      %dma_wait3A_55 = arith.constant 0 : i32
      %dma_wait3A_56 = tpu.memref_slice %arg13[%dma_wait3A_54, %dma_wait3A_55] : memref<10000x48xf32, #tpu.memory_space<vmem_shared>> -> memref<10000x48xf32, #tpu.memory_space<vmem_shared>>
      tpu.wait_indirect_dma semaphore(%arg15 : memref<!tpu.dma_semaphore, #tpu.memory_space<semaphore_mem>>) src(%dma_wait3A_56 : memref<10000x48xf32, #tpu.memory_space<vmem_shared>>) dst(%arg9 : memref<128x48xf32, #tpu.memory_space<vmem>>)
      %gt3A = arith.constant 0 : i32
      %gt3A_57 = arith.cmpi sgt, %scan3A_47, %gt3A : i32
      %convert_element_type3A = arith.extui %gt3A_57 : i1 to i32
      %cond3A = arith.constant 0 : i32
      %cond3A_58 = arith.cmpi ne, %convert_element_type3A, %cond3A : i32
      scf.if %cond3A_58 {
        %dma_wait3A_168 = arith.constant 0 : i32
        %dma_wait3A_169 = arith.constant 0 : i32
        %dma_wait3A_170 = tpu.memref_slice %arg8[%dma_wait3A_168, %dma_wait3A_169] : memref<80x128xi32, #tpu.memory_space<vmem>> -> memref<1x128xi32, #tpu.memory_space<vmem>>
        %dma_wait3A_171 = tpu.memref_squeeze %dma_wait3A_170 : memref<1x128xi32, #tpu.memory_space<vmem>> -> memref<128xi32, #tpu.memory_space<vmem>>
        %dma_wait3A_172 = arith.constant 0 : i32
        %dma_wait3A_173 = arith.constant 0 : i32
        %dma_wait3A_174 = tpu.memref_slice %arg14[%dma_wait3A_172, %dma_wait3A_173] : memref<10240x48xf32, #tpu.memory_space<vmem_shared>> -> memref<10240x48xf32, #tpu.memory_space<vmem_shared>>
        tpu.wait_indirect_dma semaphore(%arg16 : memref<!tpu.dma_semaphore, #tpu.memory_space<semaphore_mem>>) src(%arg11 : memref<128x48xf32, #tpu.memory_space<vmem>>) dst(%dma_wait3A_174 : memref<10240x48xf32, #tpu.memory_space<vmem_shared>>)
      } else {
      }
      %add3A_59 = arith.constant 0 : i32
      %add3A_60 = arith.addi %mul3A_49, %add3A_59 : i32
      %add3A_61 = arith.constant 2 : i32
      %add3A_62 = arith.addi %add3A_60, %add3A_61 : i32
      %dma_start3A_63 = arith.constant 0 : i32
      %dma_start3A_64 = tpu.memref_slice %arg7[%add3A_62, %dma_start3A_63] : memref<80x128xi32, #tpu.memory_space<vmem>> -> memref<1x128xi32, #tpu.memory_space<vmem>>
      %dma_start3A_65 = tpu.memref_squeeze %dma_start3A_64 : memref<1x128xi32, #tpu.memory_space<vmem>> -> memref<128xi32, #tpu.memory_space<vmem>>
      %dma_start3A_66 = arith.constant 0 : i32
      %dma_start3A_67 = arith.constant 0 : i32
      %dma_start3A_68 = tpu.memref_slice %arg13[%dma_start3A_66, %dma_start3A_67] : memref<10000x48xf32, #tpu.memory_space<vmem_shared>> -> memref<10000x48xf32, #tpu.memory_space<vmem_shared>>
      tpu.enqueue_indirect_dma source(%dma_start3A_68 : memref<10000x48xf32, #tpu.memory_space<vmem_shared>>) target(%arg11 : memref<128x48xf32, #tpu.memory_space<vmem>>) offsets(%dma_start3A_65 : memref<128xi32, #tpu.memory_space<vmem>>) semaphore(%arg15 : memref<!tpu.dma_semaphore, #tpu.memory_space<semaphore_mem>>)
      %add3A_69 = arith.constant 0 : i32
      %add3A_70 = arith.addi %mul3A_49, %add3A_69 : i32
      %dma_start3A_71 = arith.constant 0 : i32
      %dma_start3A_72 = tpu.memref_slice %arg8[%add3A_70, %dma_start3A_71] : memref<80x128xi32, #tpu.memory_space<vmem>> -> memref<1x128xi32, #tpu.memory_space<vmem>>
      %dma_start3A_73 = tpu.memref_squeeze %dma_start3A_72 : memref<1x128xi32, #tpu.memory_space<vmem>> -> memref<128xi32, #tpu.memory_space<vmem>>
      %dma_start3A_74 = arith.constant 0 : i32
      %dma_start3A_75 = arith.constant 0 : i32
      %dma_start3A_76 = tpu.memref_slice %arg14[%dma_start3A_74, %dma_start3A_75] : memref<10240x48xf32, #tpu.memory_space<vmem_shared>> -> memref<10240x48xf32, #tpu.memory_space<vmem_shared>>
      tpu.enqueue_indirect_dma source(%arg9 : memref<128x48xf32, #tpu.memory_space<vmem>>) target(%dma_start3A_76 : memref<10240x48xf32, #tpu.memory_space<vmem_shared>>) offsets(%dma_start3A_73 : memref<128xi32, #tpu.memory_space<vmem>>) semaphore(%arg16 : memref<!tpu.dma_semaphore, #tpu.memory_space<semaphore_mem>>) {add = true}
      %dma_wait3A_77 = arith.constant 0 : i32
      %dma_wait3A_78 = arith.constant 0 : i32
      %dma_wait3A_79 = tpu.memref_slice %arg7[%dma_wait3A_77, %dma_wait3A_78] : memref<80x128xi32, #tpu.memory_space<vmem>> -> memref<1x128xi32, #tpu.memory_space<vmem>>
      %dma_wait3A_80 = tpu.memref_squeeze %dma_wait3A_79 : memref<1x128xi32, #tpu.memory_space<vmem>> -> memref<128xi32, #tpu.memory_space<vmem>>
      %dma_wait3A_81 = arith.constant 0 : i32
      %dma_wait3A_82 = arith.constant 0 : i32
      %dma_wait3A_83 = tpu.memref_slice %arg13[%dma_wait3A_81, %dma_wait3A_82] : memref<10000x48xf32, #tpu.memory_space<vmem_shared>> -> memref<10000x48xf32, #tpu.memory_space<vmem_shared>>
      tpu.wait_indirect_dma semaphore(%arg15 : memref<!tpu.dma_semaphore, #tpu.memory_space<semaphore_mem>>) src(%dma_wait3A_83 : memref<10000x48xf32, #tpu.memory_space<vmem_shared>>) dst(%arg10 : memref<128x48xf32, #tpu.memory_space<vmem>>)
      %gt3A_84 = arith.constant 0 : i32
      %gt3A_85 = arith.cmpi sgt, %scan3A_47, %gt3A_84 : i32
      %convert_element_type3A_86 = arith.extui %gt3A_85 : i1 to i32
      %cond3A_87 = arith.constant 0 : i32
      %cond3A_88 = arith.cmpi ne, %convert_element_type3A_86, %cond3A_87 : i32
      scf.if %cond3A_88 {
        %dma_wait3A_168 = arith.constant 0 : i32
        %dma_wait3A_169 = arith.constant 0 : i32
        %dma_wait3A_170 = tpu.memref_slice %arg8[%dma_wait3A_168, %dma_wait3A_169] : memref<80x128xi32, #tpu.memory_space<vmem>> -> memref<1x128xi32, #tpu.memory_space<vmem>>
        %dma_wait3A_171 = tpu.memref_squeeze %dma_wait3A_170 : memref<1x128xi32, #tpu.memory_space<vmem>> -> memref<128xi32, #tpu.memory_space<vmem>>
        %dma_wait3A_172 = arith.constant 0 : i32
        %dma_wait3A_173 = arith.constant 0 : i32
        %dma_wait3A_174 = tpu.memref_slice %arg14[%dma_wait3A_172, %dma_wait3A_173] : memref<10240x48xf32, #tpu.memory_space<vmem_shared>> -> memref<10240x48xf32, #tpu.memory_space<vmem_shared>>
        tpu.wait_indirect_dma semaphore(%arg16 : memref<!tpu.dma_semaphore, #tpu.memory_space<semaphore_mem>>) src(%arg12 : memref<128x48xf32, #tpu.memory_space<vmem>>) dst(%dma_wait3A_174 : memref<10240x48xf32, #tpu.memory_space<vmem_shared>>)
      } else {
      }
      %add3A_89 = arith.constant 1 : i32
      %add3A_90 = arith.addi %mul3A_49, %add3A_89 : i32
      %add3A_91 = arith.constant 2 : i32
      %add3A_92 = arith.addi %add3A_90, %add3A_91 : i32
      %dma_start3A_93 = arith.constant 0 : i32
      %dma_start3A_94 = tpu.memref_slice %arg7[%add3A_92, %dma_start3A_93] : memref<80x128xi32, #tpu.memory_space<vmem>> -> memref<1x128xi32, #tpu.memory_space<vmem>>
      %dma_start3A_95 = tpu.memref_squeeze %dma_start3A_94 : memref<1x128xi32, #tpu.memory_space<vmem>> -> memref<128xi32, #tpu.memory_space<vmem>>
      %dma_start3A_96 = arith.constant 0 : i32
      %dma_start3A_97 = arith.constant 0 : i32
      %dma_start3A_98 = tpu.memref_slice %arg13[%dma_start3A_96, %dma_start3A_97] : memref<10000x48xf32, #tpu.memory_space<vmem_shared>> -> memref<10000x48xf32, #tpu.memory_space<vmem_shared>>
      tpu.enqueue_indirect_dma source(%dma_start3A_98 : memref<10000x48xf32, #tpu.memory_space<vmem_shared>>) target(%arg12 : memref<128x48xf32, #tpu.memory_space<vmem>>) offsets(%dma_start3A_95 : memref<128xi32, #tpu.memory_space<vmem>>) semaphore(%arg15 : memref<!tpu.dma_semaphore, #tpu.memory_space<semaphore_mem>>)
      %add3A_99 = arith.constant 1 : i32
      %add3A_100 = arith.addi %mul3A_49, %add3A_99 : i32
      %dma_start3A_101 = arith.constant 0 : i32
      %dma_start3A_102 = tpu.memref_slice %arg8[%add3A_100, %dma_start3A_101] : memref<80x128xi32, #tpu.memory_space<vmem>> -> memref<1x128xi32, #tpu.memory_space<vmem>>
      %dma_start3A_103 = tpu.memref_squeeze %dma_start3A_102 : memref<1x128xi32, #tpu.memory_space<vmem>> -> memref<128xi32, #tpu.memory_space<vmem>>
      %dma_start3A_104 = arith.constant 0 : i32
      %dma_start3A_105 = arith.constant 0 : i32
      %dma_start3A_106 = tpu.memref_slice %arg14[%dma_start3A_104, %dma_start3A_105] : memref<10240x48xf32, #tpu.memory_space<vmem_shared>> -> memref<10240x48xf32, #tpu.memory_space<vmem_shared>>
      tpu.enqueue_indirect_dma source(%arg10 : memref<128x48xf32, #tpu.memory_space<vmem>>) target(%dma_start3A_106 : memref<10240x48xf32, #tpu.memory_space<vmem_shared>>) offsets(%dma_start3A_103 : memref<128xi32, #tpu.memory_space<vmem>>) semaphore(%arg16 : memref<!tpu.dma_semaphore, #tpu.memory_space<semaphore_mem>>) {add = true}
      %dma_wait3A_107 = arith.constant 0 : i32
      %dma_wait3A_108 = arith.constant 0 : i32
      %dma_wait3A_109 = tpu.memref_slice %arg7[%dma_wait3A_107, %dma_wait3A_108] : memref<80x128xi32, #tpu.memory_space<vmem>> -> memref<1x128xi32, #tpu.memory_space<vmem>>
      %dma_wait3A_110 = tpu.memref_squeeze %dma_wait3A_109 : memref<1x128xi32, #tpu.memory_space<vmem>> -> memref<128xi32, #tpu.memory_space<vmem>>
      %dma_wait3A_111 = arith.constant 0 : i32
      %dma_wait3A_112 = arith.constant 0 : i32
      %dma_wait3A_113 = tpu.memref_slice %arg13[%dma_wait3A_111, %dma_wait3A_112] : memref<10000x48xf32, #tpu.memory_space<vmem_shared>> -> memref<10000x48xf32, #tpu.memory_space<vmem_shared>>
      tpu.wait_indirect_dma semaphore(%arg15 : memref<!tpu.dma_semaphore, #tpu.memory_space<semaphore_mem>>) src(%dma_wait3A_113 : memref<10000x48xf32, #tpu.memory_space<vmem_shared>>) dst(%arg11 : memref<128x48xf32, #tpu.memory_space<vmem>>)
      %dma_wait3A_114 = arith.constant 0 : i32
      %dma_wait3A_115 = arith.constant 0 : i32
      %dma_wait3A_116 = tpu.memref_slice %arg8[%dma_wait3A_114, %dma_wait3A_115] : memref<80x128xi32, #tpu.memory_space<vmem>> -> memref<1x128xi32, #tpu.memory_space<vmem>>
      %dma_wait3A_117 = tpu.memref_squeeze %dma_wait3A_116 : memref<1x128xi32, #tpu.memory_space<vmem>> -> memref<128xi32, #tpu.memory_space<vmem>>
      %dma_wait3A_118 = arith.constant 0 : i32
      %dma_wait3A_119 = arith.constant 0 : i32
      %dma_wait3A_120 = tpu.memref_slice %arg14[%dma_wait3A_118, %dma_wait3A_119] : memref<10240x48xf32, #tpu.memory_space<vmem_shared>> -> memref<10240x48xf32, #tpu.memory_space<vmem_shared>>
      tpu.wait_indirect_dma semaphore(%arg16 : memref<!tpu.dma_semaphore, #tpu.memory_space<semaphore_mem>>) src(%arg9 : memref<128x48xf32, #tpu.memory_space<vmem>>) dst(%dma_wait3A_120 : memref<10240x48xf32, #tpu.memory_space<vmem_shared>>)
      %lt3A = arith.constant 19 : i32
      %lt3A_121 = arith.cmpi slt, %scan3A_47, %lt3A : i32
      %add3A_122 = arith.constant 2 : i32
      %add3A_123 = arith.addi %mul3A_49, %add3A_122 : i32
      %add3A_124 = arith.constant 2 : i32
      %add3A_125 = arith.addi %add3A_123, %add3A_124 : i32
      %convert_element_type3A_126 = arith.extui %lt3A_121 : i1 to i32
      %cond3A_127 = arith.constant 0 : i32
      %cond3A_128 = arith.cmpi ne, %convert_element_type3A_126, %cond3A_127 : i32
      scf.if %cond3A_128 {
        %dma_start3A_168 = arith.constant 0 : i32
        %dma_start3A_169 = tpu.memref_slice %arg7[%add3A_125, %dma_start3A_168] : memref<80x128xi32, #tpu.memory_space<vmem>> -> memref<1x128xi32, #tpu.memory_space<vmem>>
        %dma_start3A_170 = tpu.memref_squeeze %dma_start3A_169 : memref<1x128xi32, #tpu.memory_space<vmem>> -> memref<128xi32, #tpu.memory_space<vmem>>
        %dma_start3A_171 = arith.constant 0 : i32
        %dma_start3A_172 = arith.constant 0 : i32
        %dma_start3A_173 = tpu.memref_slice %arg13[%dma_start3A_171, %dma_start3A_172] : memref<10000x48xf32, #tpu.memory_space<vmem_shared>> -> memref<10000x48xf32, #tpu.memory_space<vmem_shared>>
        tpu.enqueue_indirect_dma source(%dma_start3A_173 : memref<10000x48xf32, #tpu.memory_space<vmem_shared>>) target(%arg9 : memref<128x48xf32, #tpu.memory_space<vmem>>) offsets(%dma_start3A_170 : memref<128xi32, #tpu.memory_space<vmem>>) semaphore(%arg15 : memref<!tpu.dma_semaphore, #tpu.memory_space<semaphore_mem>>)
      } else {
      }
      %add3A_129 = arith.constant 2 : i32
      %add3A_130 = arith.addi %mul3A_49, %add3A_129 : i32
      %dma_start3A_131 = arith.constant 0 : i32
      %dma_start3A_132 = tpu.memref_slice %arg8[%add3A_130, %dma_start3A_131] : memref<80x128xi32, #tpu.memory_space<vmem>> -> memref<1x128xi32, #tpu.memory_space<vmem>>
      %dma_start3A_133 = tpu.memref_squeeze %dma_start3A_132 : memref<1x128xi32, #tpu.memory_space<vmem>> -> memref<128xi32, #tpu.memory_space<vmem>>
      %dma_start3A_134 = arith.constant 0 : i32
      %dma_start3A_135 = arith.constant 0 : i32
      %dma_start3A_136 = tpu.memref_slice %arg14[%dma_start3A_134, %dma_start3A_135] : memref<10240x48xf32, #tpu.memory_space<vmem_shared>> -> memref<10240x48xf32, #tpu.memory_space<vmem_shared>>
      tpu.enqueue_indirect_dma source(%arg11 : memref<128x48xf32, #tpu.memory_space<vmem>>) target(%dma_start3A_136 : memref<10240x48xf32, #tpu.memory_space<vmem_shared>>) offsets(%dma_start3A_133 : memref<128xi32, #tpu.memory_space<vmem>>) semaphore(%arg16 : memref<!tpu.dma_semaphore, #tpu.memory_space<semaphore_mem>>) {add = true}
      %dma_wait3A_137 = arith.constant 0 : i32
      %dma_wait3A_138 = arith.constant 0 : i32
      %dma_wait3A_139 = tpu.memref_slice %arg7[%dma_wait3A_137, %dma_wait3A_138] : memref<80x128xi32, #tpu.memory_space<vmem>> -> memref<1x128xi32, #tpu.memory_space<vmem>>
      %dma_wait3A_140 = tpu.memref_squeeze %dma_wait3A_139 : memref<1x128xi32, #tpu.memory_space<vmem>> -> memref<128xi32, #tpu.memory_space<vmem>>
      %dma_wait3A_141 = arith.constant 0 : i32
      %dma_wait3A_142 = arith.constant 0 : i32
      %dma_wait3A_143 = tpu.memref_slice %arg13[%dma_wait3A_141, %dma_wait3A_142] : memref<10000x48xf32, #tpu.memory_space<vmem_shared>> -> memref<10000x48xf32, #tpu.memory_space<vmem_shared>>
      tpu.wait_indirect_dma semaphore(%arg15 : memref<!tpu.dma_semaphore, #tpu.memory_space<semaphore_mem>>) src(%dma_wait3A_143 : memref<10000x48xf32, #tpu.memory_space<vmem_shared>>) dst(%arg12 : memref<128x48xf32, #tpu.memory_space<vmem>>)
      %dma_wait3A_144 = arith.constant 0 : i32
      %dma_wait3A_145 = arith.constant 0 : i32
      %dma_wait3A_146 = tpu.memref_slice %arg8[%dma_wait3A_144, %dma_wait3A_145] : memref<80x128xi32, #tpu.memory_space<vmem>> -> memref<1x128xi32, #tpu.memory_space<vmem>>
      %dma_wait3A_147 = tpu.memref_squeeze %dma_wait3A_146 : memref<1x128xi32, #tpu.memory_space<vmem>> -> memref<128xi32, #tpu.memory_space<vmem>>
      %dma_wait3A_148 = arith.constant 0 : i32
      %dma_wait3A_149 = arith.constant 0 : i32
      %dma_wait3A_150 = tpu.memref_slice %arg14[%dma_wait3A_148, %dma_wait3A_149] : memref<10240x48xf32, #tpu.memory_space<vmem_shared>> -> memref<10240x48xf32, #tpu.memory_space<vmem_shared>>
      tpu.wait_indirect_dma semaphore(%arg16 : memref<!tpu.dma_semaphore, #tpu.memory_space<semaphore_mem>>) src(%arg10 : memref<128x48xf32, #tpu.memory_space<vmem>>) dst(%dma_wait3A_150 : memref<10240x48xf32, #tpu.memory_space<vmem_shared>>)
      %lt3A_151 = arith.constant 19 : i32
      %lt3A_152 = arith.cmpi slt, %scan3A_47, %lt3A_151 : i32
      %add3A_153 = arith.constant 3 : i32
      %add3A_154 = arith.addi %mul3A_49, %add3A_153 : i32
      %add3A_155 = arith.constant 2 : i32
      %add3A_156 = arith.addi %add3A_154, %add3A_155 : i32
      %convert_element_type3A_157 = arith.extui %lt3A_152 : i1 to i32
      %cond3A_158 = arith.constant 0 : i32
      %cond3A_159 = arith.cmpi ne, %convert_element_type3A_157, %cond3A_158 : i32
      scf.if %cond3A_159 {
        %dma_start3A_168 = arith.constant 0 : i32
        %dma_start3A_169 = tpu.memref_slice %arg7[%add3A_156, %dma_start3A_168] : memref<80x128xi32, #tpu.memory_space<vmem>> -> memref<1x128xi32, #tpu.memory_space<vmem>>
        %dma_start3A_170 = tpu.memref_squeeze %dma_start3A_169 : memref<1x128xi32, #tpu.memory_space<vmem>> -> memref<128xi32, #tpu.memory_space<vmem>>
        %dma_start3A_171 = arith.constant 0 : i32
        %dma_start3A_172 = arith.constant 0 : i32
        %dma_start3A_173 = tpu.memref_slice %arg13[%dma_start3A_171, %dma_start3A_172] : memref<10000x48xf32, #tpu.memory_space<vmem_shared>> -> memref<10000x48xf32, #tpu.memory_space<vmem_shared>>
        tpu.enqueue_indirect_dma source(%dma_start3A_173 : memref<10000x48xf32, #tpu.memory_space<vmem_shared>>) target(%arg10 : memref<128x48xf32, #tpu.memory_space<vmem>>) offsets(%dma_start3A_170 : memref<128xi32, #tpu.memory_space<vmem>>) semaphore(%arg15 : memref<!tpu.dma_semaphore, #tpu.memory_space<semaphore_mem>>)
      } else {
      }
      %add3A_160 = arith.constant 3 : i32
      %add3A_161 = arith.addi %mul3A_49, %add3A_160 : i32
      %dma_start3A_162 = arith.constant 0 : i32
      %dma_start3A_163 = tpu.memref_slice %arg8[%add3A_161, %dma_start3A_162] : memref<80x128xi32, #tpu.memory_space<vmem>> -> memref<1x128xi32, #tpu.memory_space<vmem>>
      %dma_start3A_164 = tpu.memref_squeeze %dma_start3A_163 : memref<1x128xi32, #tpu.memory_space<vmem>> -> memref<128xi32, #tpu.memory_space<vmem>>
      %dma_start3A_165 = arith.constant 0 : i32
      %dma_start3A_166 = arith.constant 0 : i32
      %dma_start3A_167 = tpu.memref_slice %arg14[%dma_start3A_165, %dma_start3A_166] : memref<10240x48xf32, #tpu.memory_space<vmem_shared>> -> memref<10240x48xf32, #tpu.memory_space<vmem_shared>>
      tpu.enqueue_indirect_dma source(%arg12 : memref<128x48xf32, #tpu.memory_space<vmem>>) target(%dma_start3A_167 : memref<10240x48xf32, #tpu.memory_space<vmem_shared>>) offsets(%dma_start3A_164 : memref<128xi32, #tpu.memory_space<vmem>>) semaphore(%arg16 : memref<!tpu.dma_semaphore, #tpu.memory_space<semaphore_mem>>) {add = true}
    }
    %scan3A_28 = arith.constant 20 : i32
    %dma_wait3A = arith.constant 0 : i32
    %dma_wait3A_29 = arith.constant 0 : i32
    %dma_wait3A_30 = tpu.memref_slice %arg8[%dma_wait3A, %dma_wait3A_29] : memref<80x128xi32, #tpu.memory_space<vmem>> -> memref<1x128xi32, #tpu.memory_space<vmem>>
    %dma_wait3A_31 = tpu.memref_squeeze %dma_wait3A_30 : memref<1x128xi32, #tpu.memory_space<vmem>> -> memref<128xi32, #tpu.memory_space<vmem>>
    %dma_wait3A_32 = arith.constant 0 : i32
    %dma_wait3A_33 = arith.constant 0 : i32
    %dma_wait3A_34 = tpu.memref_slice %arg14[%dma_wait3A_32, %dma_wait3A_33] : memref<10240x48xf32, #tpu.memory_space<vmem_shared>> -> memref<10240x48xf32, #tpu.memory_space<vmem_shared>>
    tpu.wait_indirect_dma semaphore(%arg16 : memref<!tpu.dma_semaphore, #tpu.memory_space<semaphore_mem>>) src(%arg11 : memref<128x48xf32, #tpu.memory_space<vmem>>) dst(%dma_wait3A_34 : memref<10240x48xf32, #tpu.memory_space<vmem_shared>>)
    %dma_wait3A_35 = arith.constant 0 : i32
    %dma_wait3A_36 = arith.constant 0 : i32
    %dma_wait3A_37 = tpu.memref_slice %arg8[%dma_wait3A_35, %dma_wait3A_36] : memref<80x128xi32, #tpu.memory_space<vmem>> -> memref<1x128xi32, #tpu.memory_space<vmem>>
    %dma_wait3A_38 = tpu.memref_squeeze %dma_wait3A_37 : memref<1x128xi32, #tpu.memory_space<vmem>> -> memref<128xi32, #tpu.memory_space<vmem>>
    %dma_wait3A_39 = arith.constant 0 : i32
    %dma_wait3A_40 = arith.constant 0 : i32
    %dma_wait3A_41 = tpu.memref_slice %arg14[%dma_wait3A_39, %dma_wait3A_40] : memref<10240x48xf32, #tpu.memory_space<vmem_shared>> -> memref<10240x48xf32, #tpu.memory_space<vmem_shared>>
    tpu.wait_indirect_dma semaphore(%arg16 : memref<!tpu.dma_semaphore, #tpu.memory_space<semaphore_mem>>) src(%arg12 : memref<128x48xf32, #tpu.memory_space<vmem>>) dst(%dma_wait3A_41 : memref<10240x48xf32, #tpu.memory_space<vmem_shared>>)
    %barrier3A_42 = arith.constant 0 : index
    tpu.barrier barrier_id(%barrier3A_42)
    %mul3A_43 = arith.constant 625 : i32
    %mul3A_44 = arith.muli %arg1, %mul3A_43 : i32
    %mul3A_45 = arith.constant 625 : i32
    %mul3A_46 = arith.muli %arg1, %mul3A_45 : i32
    "tpu.region"() ({
      %run_scoped3A = tpu.sem_alloc : memref<!tpu.dma_semaphore, #tpu.memory_space<semaphore_mem>>
      %dma_start3A_47 = arith.constant 0 : i32
      %dma_start3A_48 = tpu.memref_slice %arg6[%arg0, %mul3A_46, %dma_start3A_47] : memref<2x10000x48xf32, #tpu.memory_space<hbm>> -> memref<1x625x48xf32, #tpu.memory_space<hbm>>
      %dma_start3A_49 = tpu.memref_squeeze %dma_start3A_48 : memref<1x625x48xf32, #tpu.memory_space<hbm>> -> memref<625x48xf32, #tpu.memory_space<hbm>>
      %dma_start3A_50 = arith.constant 0 : i32
      %dma_start3A_51 = tpu.memref_slice %arg14[%mul3A_44, %dma_start3A_50] : memref<10240x48xf32, #tpu.memory_space<vmem_shared>> -> memref<625x48xf32, #tpu.memory_space<vmem_shared>>
      tpu.enqueue_dma source(%dma_start3A_51 : memref<625x48xf32, #tpu.memory_space<vmem_shared>>) target(%dma_start3A_49 : memref<625x48xf32, #tpu.memory_space<hbm>>) target_semaphore(%run_scoped3A : memref<!tpu.dma_semaphore, #tpu.memory_space<semaphore_mem>>)
      %dma_wait3A_52 = arith.constant 0 : i32
      %dma_wait3A_53 = tpu.memref_slice %arg6[%arg0, %mul3A_46, %dma_wait3A_52] : memref<2x10000x48xf32, #tpu.memory_space<hbm>> -> memref<1x625x48xf32, #tpu.memory_space<hbm>>
      %dma_wait3A_54 = tpu.memref_squeeze %dma_wait3A_53 : memref<1x625x48xf32, #tpu.memory_space<hbm>> -> memref<625x48xf32, #tpu.memory_space<hbm>>
      %dma_wait3A_55 = arith.constant 0 : i32
      %dma_wait3A_56 = tpu.memref_slice %arg14[%mul3A_44, %dma_wait3A_55] : memref<10240x48xf32, #tpu.memory_space<vmem_shared>> -> memref<625x48xf32, #tpu.memory_space<vmem_shared>>
      tpu.wait_dma2 semaphore(%run_scoped3A : memref<!tpu.dma_semaphore, #tpu.memory_space<semaphore_mem>>) src(%dma_wait3A_56 : memref<625x48xf32, #tpu.memory_space<vmem_shared>>) dst(%dma_wait3A_54 : memref<625x48xf32, #tpu.memory_space<hbm>>)
      tpu.yield
    }) : () -> ()
    return
  }
}

#map = affine_map<(d0, d1) -> (0, 0)>
#map1 = affine_map<(d0, d1) -> (0, 0, 0)>
module attributes {stable_mosaic.version = 14 : i64} {
  func.func @agg(%arg0: i32, %arg1: i32, %arg2: memref<10000x32xf32, #tpu.memory_space<hbm>>, %arg3: memref<2560x128xi32, #tpu.memory_space<hbm>>, %arg4: memref<2560x128xi32, #tpu.memory_space<hbm>>, %arg5: memref<10000x32xf32, #tpu.memory_space<hbm>>, %arg6: memref<2x10000x32xf32, #tpu.memory_space<hbm>>, %arg7: memref<80x128xi32, #tpu.memory_space<vmem>>, %arg8: memref<80x128xi32, #tpu.memory_space<vmem>>, %arg9: memref<128x32xf32, #tpu.memory_space<vmem>>, %arg10: memref<128x32xf32, #tpu.memory_space<vmem>>, %arg11: memref<128x32xf32, #tpu.memory_space<vmem>>, %arg12: memref<128x32xf32, #tpu.memory_space<vmem>>, %arg13: memref<10000x32xf32, #tpu.memory_space<vmem_shared>>, %arg14: memref<10240x32xf32, #tpu.memory_space<vmem_shared>>, %arg15: memref<!tpu.dma_semaphore, #tpu.memory_space<semaphore_mem>>, %arg16: memref<!tpu.dma_semaphore, #tpu.memory_space<semaphore_mem>>) attributes {dimension_semantics = [#tpu.dimension_semantics<core_parallel>, #tpu.dimension_semantics<subcore_parallel>], iteration_bounds = array<i64: 2, 16>, scalar_prefetch = 0 : i64, scratch_operands = 10 : i64, tpu.core_type = #tpu.core_type<sc_vector_subcore>, window_params = [{transform_indices = #map}, {transform_indices = #map}, {transform_indices = #map}, {transform_indices = #map}, {transform_indices = #map1}]} {
    %mul3A = arith.constant 16 : i32
    %mul3A_0 = arith.muli %arg0, %mul3A : i32
    %add3A = arith.addi %mul3A_0, %arg1 : i32
    %mul3A_1 = arith.constant 625 : i32
    %mul3A_2 = arith.muli %arg1, %mul3A_1 : i32
    %mul3A_3 = arith.constant 625 : i32
    %mul3A_4 = arith.muli %arg1, %mul3A_3 : i32
    "tpu.region"() ({
      %run_scoped3A = tpu.sem_alloc : memref<!tpu.dma_semaphore, #tpu.memory_space<semaphore_mem>>
      %dma_start3A_47 = arith.constant 0 : i32
      %dma_start3A_48 = tpu.memref_slice %arg13[%mul3A_4, %dma_start3A_47] : memref<10000x32xf32, #tpu.memory_space<vmem_shared>> -> memref<625x32xf32, #tpu.memory_space<vmem_shared>>
      %dma_start3A_49 = arith.constant 0 : i32
      %dma_start3A_50 = tpu.memref_slice %arg2[%mul3A_2, %dma_start3A_49] : memref<10000x32xf32, #tpu.memory_space<hbm>> -> memref<625x32xf32, #tpu.memory_space<hbm>>
      tpu.enqueue_dma source(%dma_start3A_50 : memref<625x32xf32, #tpu.memory_space<hbm>>) target(%dma_start3A_48 : memref<625x32xf32, #tpu.memory_space<vmem_shared>>) target_semaphore(%run_scoped3A : memref<!tpu.dma_semaphore, #tpu.memory_space<semaphore_mem>>)
      %dma_wait3A_51 = arith.constant 0 : i32
      %dma_wait3A_52 = tpu.memref_slice %arg13[%mul3A_4, %dma_wait3A_51] : memref<10000x32xf32, #tpu.memory_space<vmem_shared>> -> memref<625x32xf32, #tpu.memory_space<vmem_shared>>
      %dma_wait3A_53 = arith.constant 0 : i32
      %dma_wait3A_54 = tpu.memref_slice %arg2[%mul3A_2, %dma_wait3A_53] : memref<10000x32xf32, #tpu.memory_space<hbm>> -> memref<625x32xf32, #tpu.memory_space<hbm>>
      tpu.wait_dma2 semaphore(%run_scoped3A : memref<!tpu.dma_semaphore, #tpu.memory_space<semaphore_mem>>) src(%dma_wait3A_54 : memref<625x32xf32, #tpu.memory_space<hbm>>) dst(%dma_wait3A_52 : memref<625x32xf32, #tpu.memory_space<vmem_shared>>)
      tpu.yield
    }) : () -> ()
    %mul3A_5 = arith.constant 625 : i32
    %mul3A_6 = arith.muli %arg1, %mul3A_5 : i32
    %mul3A_7 = arith.constant 625 : i32
    %mul3A_8 = arith.muli %arg1, %mul3A_7 : i32
    "tpu.region"() ({
      %run_scoped3A = tpu.sem_alloc : memref<!tpu.dma_semaphore, #tpu.memory_space<semaphore_mem>>
      %dma_start3A_47 = arith.constant 0 : i32
      %dma_start3A_48 = tpu.memref_slice %arg14[%mul3A_8, %dma_start3A_47] : memref<10240x32xf32, #tpu.memory_space<vmem_shared>> -> memref<625x32xf32, #tpu.memory_space<vmem_shared>>
      %dma_start3A_49 = arith.constant 0 : i32
      %dma_start3A_50 = tpu.memref_slice %arg5[%mul3A_6, %dma_start3A_49] : memref<10000x32xf32, #tpu.memory_space<hbm>> -> memref<625x32xf32, #tpu.memory_space<hbm>>
      tpu.enqueue_dma source(%dma_start3A_50 : memref<625x32xf32, #tpu.memory_space<hbm>>) target(%dma_start3A_48 : memref<625x32xf32, #tpu.memory_space<vmem_shared>>) target_semaphore(%run_scoped3A : memref<!tpu.dma_semaphore, #tpu.memory_space<semaphore_mem>>)
      %dma_wait3A_51 = arith.constant 0 : i32
      %dma_wait3A_52 = tpu.memref_slice %arg14[%mul3A_8, %dma_wait3A_51] : memref<10240x32xf32, #tpu.memory_space<vmem_shared>> -> memref<625x32xf32, #tpu.memory_space<vmem_shared>>
      %dma_wait3A_53 = arith.constant 0 : i32
      %dma_wait3A_54 = tpu.memref_slice %arg5[%mul3A_6, %dma_wait3A_53] : memref<10000x32xf32, #tpu.memory_space<hbm>> -> memref<625x32xf32, #tpu.memory_space<hbm>>
      tpu.wait_dma2 semaphore(%run_scoped3A : memref<!tpu.dma_semaphore, #tpu.memory_space<semaphore_mem>>) src(%dma_wait3A_54 : memref<625x32xf32, #tpu.memory_space<hbm>>) dst(%dma_wait3A_52 : memref<625x32xf32, #tpu.memory_space<vmem_shared>>)
      tpu.yield
    }) : () -> ()
    %mul3A_9 = arith.constant 80 : i32
    %mul3A_10 = arith.muli %add3A, %mul3A_9 : i32
    "tpu.region"() ({
      %run_scoped3A = tpu.sem_alloc : memref<!tpu.dma_semaphore, #tpu.memory_space<semaphore_mem>>
      %dma_start3A_47 = arith.constant 0 : i32
      %dma_start3A_48 = tpu.memref_slice %arg3[%mul3A_10, %dma_start3A_47] : memref<2560x128xi32, #tpu.memory_space<hbm>> -> memref<80x128xi32, #tpu.memory_space<hbm>>
      %dma_start3A_49 = arith.constant 0 : i32
      %dma_start3A_50 = tpu.memref_slice %arg3[%mul3A_10, %dma_start3A_49] : memref<2560x128xi32, #tpu.memory_space<hbm>> -> memref<80x128xi32, #tpu.memory_space<hbm>>
      tpu.enqueue_dma source(%dma_start3A_50 : memref<80x128xi32, #tpu.memory_space<hbm>>) target(%arg7 : memref<80x128xi32, #tpu.memory_space<vmem>>) target_semaphore(%run_scoped3A : memref<!tpu.dma_semaphore, #tpu.memory_space<semaphore_mem>>)
      %dma_wait3A_51 = arith.constant 0 : i32
      %dma_wait3A_52 = tpu.memref_slice %arg3[%mul3A_10, %dma_wait3A_51] : memref<2560x128xi32, #tpu.memory_space<hbm>> -> memref<80x128xi32, #tpu.memory_space<hbm>>
      %dma_wait3A_53 = arith.constant 0 : i32
      %dma_wait3A_54 = tpu.memref_slice %arg3[%mul3A_10, %dma_wait3A_53] : memref<2560x128xi32, #tpu.memory_space<hbm>> -> memref<80x128xi32, #tpu.memory_space<hbm>>
      tpu.wait_dma2 semaphore(%run_scoped3A : memref<!tpu.dma_semaphore, #tpu.memory_space<semaphore_mem>>) src(%dma_wait3A_54 : memref<80x128xi32, #tpu.memory_space<hbm>>) dst(%arg7 : memref<80x128xi32, #tpu.memory_space<vmem>>)
      tpu.yield
    }) : () -> ()
    "tpu.region"() ({
      %run_scoped3A = tpu.sem_alloc : memref<!tpu.dma_semaphore, #tpu.memory_space<semaphore_mem>>
      %dma_start3A_47 = arith.constant 0 : i32
      %dma_start3A_48 = tpu.memref_slice %arg4[%mul3A_10, %dma_start3A_47] : memref<2560x128xi32, #tpu.memory_space<hbm>> -> memref<80x128xi32, #tpu.memory_space<hbm>>
      %dma_start3A_49 = arith.constant 0 : i32
      %dma_start3A_50 = tpu.memref_slice %arg4[%mul3A_10, %dma_start3A_49] : memref<2560x128xi32, #tpu.memory_space<hbm>> -> memref<80x128xi32, #tpu.memory_space<hbm>>
      tpu.enqueue_dma source(%dma_start3A_50 : memref<80x128xi32, #tpu.memory_space<hbm>>) target(%arg8 : memref<80x128xi32, #tpu.memory_space<vmem>>) target_semaphore(%run_scoped3A : memref<!tpu.dma_semaphore, #tpu.memory_space<semaphore_mem>>)
      %dma_wait3A_51 = arith.constant 0 : i32
      %dma_wait3A_52 = tpu.memref_slice %arg4[%mul3A_10, %dma_wait3A_51] : memref<2560x128xi32, #tpu.memory_space<hbm>> -> memref<80x128xi32, #tpu.memory_space<hbm>>
      %dma_wait3A_53 = arith.constant 0 : i32
      %dma_wait3A_54 = tpu.memref_slice %arg4[%mul3A_10, %dma_wait3A_53] : memref<2560x128xi32, #tpu.memory_space<hbm>> -> memref<80x128xi32, #tpu.memory_space<hbm>>
      tpu.wait_dma2 semaphore(%run_scoped3A : memref<!tpu.dma_semaphore, #tpu.memory_space<semaphore_mem>>) src(%dma_wait3A_54 : memref<80x128xi32, #tpu.memory_space<hbm>>) dst(%arg8 : memref<80x128xi32, #tpu.memory_space<vmem>>)
      tpu.yield
    }) : () -> ()
    %barrier3A = arith.constant 0 : index
    tpu.barrier barrier_id(%barrier3A)
    %dma_start3A = arith.constant 0 : i32
    %dma_start3A_11 = arith.constant 0 : i32
    %dma_start3A_12 = tpu.memref_slice %arg7[%dma_start3A, %dma_start3A_11] : memref<80x128xi32, #tpu.memory_space<vmem>> -> memref<1x128xi32, #tpu.memory_space<vmem>>
    %dma_start3A_13 = tpu.memref_squeeze %dma_start3A_12 : memref<1x128xi32, #tpu.memory_space<vmem>> -> memref<128xi32, #tpu.memory_space<vmem>>
    %dma_start3A_14 = arith.constant 0 : i32
    %dma_start3A_15 = arith.constant 0 : i32
    %dma_start3A_16 = tpu.memref_slice %arg13[%dma_start3A_14, %dma_start3A_15] : memref<10000x32xf32, #tpu.memory_space<vmem_shared>> -> memref<10000x32xf32, #tpu.memory_space<vmem_shared>>
    tpu.enqueue_indirect_dma source(%dma_start3A_16 : memref<10000x32xf32, #tpu.memory_space<vmem_shared>>) target(%arg9 : memref<128x32xf32, #tpu.memory_space<vmem>>) offsets(%dma_start3A_13 : memref<128xi32, #tpu.memory_space<vmem>>) semaphore(%arg15 : memref<!tpu.dma_semaphore, #tpu.memory_space<semaphore_mem>>)
    %dma_start3A_17 = arith.constant 1 : i32
    %dma_start3A_18 = arith.constant 0 : i32
    %dma_start3A_19 = tpu.memref_slice %arg7[%dma_start3A_17, %dma_start3A_18] : memref<80x128xi32, #tpu.memory_space<vmem>> -> memref<1x128xi32, #tpu.memory_space<vmem>>
    %dma_start3A_20 = tpu.memref_squeeze %dma_start3A_19 : memref<1x128xi32, #tpu.memory_space<vmem>> -> memref<128xi32, #tpu.memory_space<vmem>>
    %dma_start3A_21 = arith.constant 0 : i32
    %dma_start3A_22 = arith.constant 0 : i32
    %dma_start3A_23 = tpu.memref_slice %arg13[%dma_start3A_21, %dma_start3A_22] : memref<10000x32xf32, #tpu.memory_space<vmem_shared>> -> memref<10000x32xf32, #tpu.memory_space<vmem_shared>>
    tpu.enqueue_indirect_dma source(%dma_start3A_23 : memref<10000x32xf32, #tpu.memory_space<vmem_shared>>) target(%arg10 : memref<128x32xf32, #tpu.memory_space<vmem>>) offsets(%dma_start3A_20 : memref<128xi32, #tpu.memory_space<vmem>>) semaphore(%arg15 : memref<!tpu.dma_semaphore, #tpu.memory_space<semaphore_mem>>)
    %scan3A = arith.constant 0 : i32
    %scan3A_24 = arith.constant 0 : i32
    %scan3A_25 = arith.constant 20 : i32
    %scan3A_26 = arith.addi %scan3A_24, %scan3A_25 : i32
    %scan3A_27 = arith.constant 1 : i32
    scf.for %scan3A_47 = %scan3A_24 to %scan3A_26 step %scan3A_27  : i32 {
      %mul3A_48 = arith.constant 4 : i32
      %mul3A_49 = arith.muli %mul3A_48, %scan3A_47 : i32
      %dma_wait3A_50 = arith.constant 0 : i32
      %dma_wait3A_51 = arith.constant 0 : i32
      %dma_wait3A_52 = tpu.memref_slice %arg7[%dma_wait3A_50, %dma_wait3A_51] : memref<80x128xi32, #tpu.memory_space<vmem>> -> memref<1x128xi32, #tpu.memory_space<vmem>>
      %dma_wait3A_53 = tpu.memref_squeeze %dma_wait3A_52 : memref<1x128xi32, #tpu.memory_space<vmem>> -> memref<128xi32, #tpu.memory_space<vmem>>
      %dma_wait3A_54 = arith.constant 0 : i32
      %dma_wait3A_55 = arith.constant 0 : i32
      %dma_wait3A_56 = tpu.memref_slice %arg13[%dma_wait3A_54, %dma_wait3A_55] : memref<10000x32xf32, #tpu.memory_space<vmem_shared>> -> memref<10000x32xf32, #tpu.memory_space<vmem_shared>>
      tpu.wait_indirect_dma semaphore(%arg15 : memref<!tpu.dma_semaphore, #tpu.memory_space<semaphore_mem>>) src(%dma_wait3A_56 : memref<10000x32xf32, #tpu.memory_space<vmem_shared>>) dst(%arg9 : memref<128x32xf32, #tpu.memory_space<vmem>>)
      %gt3A = arith.constant 0 : i32
      %gt3A_57 = arith.cmpi sgt, %scan3A_47, %gt3A : i32
      %convert_element_type3A = arith.extui %gt3A_57 : i1 to i32
      %cond3A = arith.constant 0 : i32
      %cond3A_58 = arith.cmpi ne, %convert_element_type3A, %cond3A : i32
      scf.if %cond3A_58 {
        %dma_wait3A_168 = arith.constant 0 : i32
        %dma_wait3A_169 = arith.constant 0 : i32
        %dma_wait3A_170 = tpu.memref_slice %arg8[%dma_wait3A_168, %dma_wait3A_169] : memref<80x128xi32, #tpu.memory_space<vmem>> -> memref<1x128xi32, #tpu.memory_space<vmem>>
        %dma_wait3A_171 = tpu.memref_squeeze %dma_wait3A_170 : memref<1x128xi32, #tpu.memory_space<vmem>> -> memref<128xi32, #tpu.memory_space<vmem>>
        %dma_wait3A_172 = arith.constant 0 : i32
        %dma_wait3A_173 = arith.constant 0 : i32
        %dma_wait3A_174 = tpu.memref_slice %arg14[%dma_wait3A_172, %dma_wait3A_173] : memref<10240x32xf32, #tpu.memory_space<vmem_shared>> -> memref<10240x32xf32, #tpu.memory_space<vmem_shared>>
        tpu.wait_indirect_dma semaphore(%arg16 : memref<!tpu.dma_semaphore, #tpu.memory_space<semaphore_mem>>) src(%arg11 : memref<128x32xf32, #tpu.memory_space<vmem>>) dst(%dma_wait3A_174 : memref<10240x32xf32, #tpu.memory_space<vmem_shared>>)
      } else {
      }
      %add3A_59 = arith.constant 0 : i32
      %add3A_60 = arith.addi %mul3A_49, %add3A_59 : i32
      %add3A_61 = arith.constant 2 : i32
      %add3A_62 = arith.addi %add3A_60, %add3A_61 : i32
      %dma_start3A_63 = arith.constant 0 : i32
      %dma_start3A_64 = tpu.memref_slice %arg7[%add3A_62, %dma_start3A_63] : memref<80x128xi32, #tpu.memory_space<vmem>> -> memref<1x128xi32, #tpu.memory_space<vmem>>
      %dma_start3A_65 = tpu.memref_squeeze %dma_start3A_64 : memref<1x128xi32, #tpu.memory_space<vmem>> -> memref<128xi32, #tpu.memory_space<vmem>>
      %dma_start3A_66 = arith.constant 0 : i32
      %dma_start3A_67 = arith.constant 0 : i32
      %dma_start3A_68 = tpu.memref_slice %arg13[%dma_start3A_66, %dma_start3A_67] : memref<10000x32xf32, #tpu.memory_space<vmem_shared>> -> memref<10000x32xf32, #tpu.memory_space<vmem_shared>>
      tpu.enqueue_indirect_dma source(%dma_start3A_68 : memref<10000x32xf32, #tpu.memory_space<vmem_shared>>) target(%arg11 : memref<128x32xf32, #tpu.memory_space<vmem>>) offsets(%dma_start3A_65 : memref<128xi32, #tpu.memory_space<vmem>>) semaphore(%arg15 : memref<!tpu.dma_semaphore, #tpu.memory_space<semaphore_mem>>)
      %add3A_69 = arith.constant 0 : i32
      %add3A_70 = arith.addi %mul3A_49, %add3A_69 : i32
      %dma_start3A_71 = arith.constant 0 : i32
      %dma_start3A_72 = tpu.memref_slice %arg8[%add3A_70, %dma_start3A_71] : memref<80x128xi32, #tpu.memory_space<vmem>> -> memref<1x128xi32, #tpu.memory_space<vmem>>
      %dma_start3A_73 = tpu.memref_squeeze %dma_start3A_72 : memref<1x128xi32, #tpu.memory_space<vmem>> -> memref<128xi32, #tpu.memory_space<vmem>>
      %dma_start3A_74 = arith.constant 0 : i32
      %dma_start3A_75 = arith.constant 0 : i32
      %dma_start3A_76 = tpu.memref_slice %arg14[%dma_start3A_74, %dma_start3A_75] : memref<10240x32xf32, #tpu.memory_space<vmem_shared>> -> memref<10240x32xf32, #tpu.memory_space<vmem_shared>>
      tpu.enqueue_indirect_dma source(%arg9 : memref<128x32xf32, #tpu.memory_space<vmem>>) target(%dma_start3A_76 : memref<10240x32xf32, #tpu.memory_space<vmem_shared>>) offsets(%dma_start3A_73 : memref<128xi32, #tpu.memory_space<vmem>>) semaphore(%arg16 : memref<!tpu.dma_semaphore, #tpu.memory_space<semaphore_mem>>) {add = true}
      %dma_wait3A_77 = arith.constant 0 : i32
      %dma_wait3A_78 = arith.constant 0 : i32
      %dma_wait3A_79 = tpu.memref_slice %arg7[%dma_wait3A_77, %dma_wait3A_78] : memref<80x128xi32, #tpu.memory_space<vmem>> -> memref<1x128xi32, #tpu.memory_space<vmem>>
      %dma_wait3A_80 = tpu.memref_squeeze %dma_wait3A_79 : memref<1x128xi32, #tpu.memory_space<vmem>> -> memref<128xi32, #tpu.memory_space<vmem>>
      %dma_wait3A_81 = arith.constant 0 : i32
      %dma_wait3A_82 = arith.constant 0 : i32
      %dma_wait3A_83 = tpu.memref_slice %arg13[%dma_wait3A_81, %dma_wait3A_82] : memref<10000x32xf32, #tpu.memory_space<vmem_shared>> -> memref<10000x32xf32, #tpu.memory_space<vmem_shared>>
      tpu.wait_indirect_dma semaphore(%arg15 : memref<!tpu.dma_semaphore, #tpu.memory_space<semaphore_mem>>) src(%dma_wait3A_83 : memref<10000x32xf32, #tpu.memory_space<vmem_shared>>) dst(%arg10 : memref<128x32xf32, #tpu.memory_space<vmem>>)
      %gt3A_84 = arith.constant 0 : i32
      %gt3A_85 = arith.cmpi sgt, %scan3A_47, %gt3A_84 : i32
      %convert_element_type3A_86 = arith.extui %gt3A_85 : i1 to i32
      %cond3A_87 = arith.constant 0 : i32
      %cond3A_88 = arith.cmpi ne, %convert_element_type3A_86, %cond3A_87 : i32
      scf.if %cond3A_88 {
        %dma_wait3A_168 = arith.constant 0 : i32
        %dma_wait3A_169 = arith.constant 0 : i32
        %dma_wait3A_170 = tpu.memref_slice %arg8[%dma_wait3A_168, %dma_wait3A_169] : memref<80x128xi32, #tpu.memory_space<vmem>> -> memref<1x128xi32, #tpu.memory_space<vmem>>
        %dma_wait3A_171 = tpu.memref_squeeze %dma_wait3A_170 : memref<1x128xi32, #tpu.memory_space<vmem>> -> memref<128xi32, #tpu.memory_space<vmem>>
        %dma_wait3A_172 = arith.constant 0 : i32
        %dma_wait3A_173 = arith.constant 0 : i32
        %dma_wait3A_174 = tpu.memref_slice %arg14[%dma_wait3A_172, %dma_wait3A_173] : memref<10240x32xf32, #tpu.memory_space<vmem_shared>> -> memref<10240x32xf32, #tpu.memory_space<vmem_shared>>
        tpu.wait_indirect_dma semaphore(%arg16 : memref<!tpu.dma_semaphore, #tpu.memory_space<semaphore_mem>>) src(%arg12 : memref<128x32xf32, #tpu.memory_space<vmem>>) dst(%dma_wait3A_174 : memref<10240x32xf32, #tpu.memory_space<vmem_shared>>)
      } else {
      }
      %add3A_89 = arith.constant 1 : i32
      %add3A_90 = arith.addi %mul3A_49, %add3A_89 : i32
      %add3A_91 = arith.constant 2 : i32
      %add3A_92 = arith.addi %add3A_90, %add3A_91 : i32
      %dma_start3A_93 = arith.constant 0 : i32
      %dma_start3A_94 = tpu.memref_slice %arg7[%add3A_92, %dma_start3A_93] : memref<80x128xi32, #tpu.memory_space<vmem>> -> memref<1x128xi32, #tpu.memory_space<vmem>>
      %dma_start3A_95 = tpu.memref_squeeze %dma_start3A_94 : memref<1x128xi32, #tpu.memory_space<vmem>> -> memref<128xi32, #tpu.memory_space<vmem>>
      %dma_start3A_96 = arith.constant 0 : i32
      %dma_start3A_97 = arith.constant 0 : i32
      %dma_start3A_98 = tpu.memref_slice %arg13[%dma_start3A_96, %dma_start3A_97] : memref<10000x32xf32, #tpu.memory_space<vmem_shared>> -> memref<10000x32xf32, #tpu.memory_space<vmem_shared>>
      tpu.enqueue_indirect_dma source(%dma_start3A_98 : memref<10000x32xf32, #tpu.memory_space<vmem_shared>>) target(%arg12 : memref<128x32xf32, #tpu.memory_space<vmem>>) offsets(%dma_start3A_95 : memref<128xi32, #tpu.memory_space<vmem>>) semaphore(%arg15 : memref<!tpu.dma_semaphore, #tpu.memory_space<semaphore_mem>>)
      %add3A_99 = arith.constant 1 : i32
      %add3A_100 = arith.addi %mul3A_49, %add3A_99 : i32
      %dma_start3A_101 = arith.constant 0 : i32
      %dma_start3A_102 = tpu.memref_slice %arg8[%add3A_100, %dma_start3A_101] : memref<80x128xi32, #tpu.memory_space<vmem>> -> memref<1x128xi32, #tpu.memory_space<vmem>>
      %dma_start3A_103 = tpu.memref_squeeze %dma_start3A_102 : memref<1x128xi32, #tpu.memory_space<vmem>> -> memref<128xi32, #tpu.memory_space<vmem>>
      %dma_start3A_104 = arith.constant 0 : i32
      %dma_start3A_105 = arith.constant 0 : i32
      %dma_start3A_106 = tpu.memref_slice %arg14[%dma_start3A_104, %dma_start3A_105] : memref<10240x32xf32, #tpu.memory_space<vmem_shared>> -> memref<10240x32xf32, #tpu.memory_space<vmem_shared>>
      tpu.enqueue_indirect_dma source(%arg10 : memref<128x32xf32, #tpu.memory_space<vmem>>) target(%dma_start3A_106 : memref<10240x32xf32, #tpu.memory_space<vmem_shared>>) offsets(%dma_start3A_103 : memref<128xi32, #tpu.memory_space<vmem>>) semaphore(%arg16 : memref<!tpu.dma_semaphore, #tpu.memory_space<semaphore_mem>>) {add = true}
      %dma_wait3A_107 = arith.constant 0 : i32
      %dma_wait3A_108 = arith.constant 0 : i32
      %dma_wait3A_109 = tpu.memref_slice %arg7[%dma_wait3A_107, %dma_wait3A_108] : memref<80x128xi32, #tpu.memory_space<vmem>> -> memref<1x128xi32, #tpu.memory_space<vmem>>
      %dma_wait3A_110 = tpu.memref_squeeze %dma_wait3A_109 : memref<1x128xi32, #tpu.memory_space<vmem>> -> memref<128xi32, #tpu.memory_space<vmem>>
      %dma_wait3A_111 = arith.constant 0 : i32
      %dma_wait3A_112 = arith.constant 0 : i32
      %dma_wait3A_113 = tpu.memref_slice %arg13[%dma_wait3A_111, %dma_wait3A_112] : memref<10000x32xf32, #tpu.memory_space<vmem_shared>> -> memref<10000x32xf32, #tpu.memory_space<vmem_shared>>
      tpu.wait_indirect_dma semaphore(%arg15 : memref<!tpu.dma_semaphore, #tpu.memory_space<semaphore_mem>>) src(%dma_wait3A_113 : memref<10000x32xf32, #tpu.memory_space<vmem_shared>>) dst(%arg11 : memref<128x32xf32, #tpu.memory_space<vmem>>)
      %dma_wait3A_114 = arith.constant 0 : i32
      %dma_wait3A_115 = arith.constant 0 : i32
      %dma_wait3A_116 = tpu.memref_slice %arg8[%dma_wait3A_114, %dma_wait3A_115] : memref<80x128xi32, #tpu.memory_space<vmem>> -> memref<1x128xi32, #tpu.memory_space<vmem>>
      %dma_wait3A_117 = tpu.memref_squeeze %dma_wait3A_116 : memref<1x128xi32, #tpu.memory_space<vmem>> -> memref<128xi32, #tpu.memory_space<vmem>>
      %dma_wait3A_118 = arith.constant 0 : i32
      %dma_wait3A_119 = arith.constant 0 : i32
      %dma_wait3A_120 = tpu.memref_slice %arg14[%dma_wait3A_118, %dma_wait3A_119] : memref<10240x32xf32, #tpu.memory_space<vmem_shared>> -> memref<10240x32xf32, #tpu.memory_space<vmem_shared>>
      tpu.wait_indirect_dma semaphore(%arg16 : memref<!tpu.dma_semaphore, #tpu.memory_space<semaphore_mem>>) src(%arg9 : memref<128x32xf32, #tpu.memory_space<vmem>>) dst(%dma_wait3A_120 : memref<10240x32xf32, #tpu.memory_space<vmem_shared>>)
      %lt3A = arith.constant 19 : i32
      %lt3A_121 = arith.cmpi slt, %scan3A_47, %lt3A : i32
      %add3A_122 = arith.constant 2 : i32
      %add3A_123 = arith.addi %mul3A_49, %add3A_122 : i32
      %add3A_124 = arith.constant 2 : i32
      %add3A_125 = arith.addi %add3A_123, %add3A_124 : i32
      %convert_element_type3A_126 = arith.extui %lt3A_121 : i1 to i32
      %cond3A_127 = arith.constant 0 : i32
      %cond3A_128 = arith.cmpi ne, %convert_element_type3A_126, %cond3A_127 : i32
      scf.if %cond3A_128 {
        %dma_start3A_168 = arith.constant 0 : i32
        %dma_start3A_169 = tpu.memref_slice %arg7[%add3A_125, %dma_start3A_168] : memref<80x128xi32, #tpu.memory_space<vmem>> -> memref<1x128xi32, #tpu.memory_space<vmem>>
        %dma_start3A_170 = tpu.memref_squeeze %dma_start3A_169 : memref<1x128xi32, #tpu.memory_space<vmem>> -> memref<128xi32, #tpu.memory_space<vmem>>
        %dma_start3A_171 = arith.constant 0 : i32
        %dma_start3A_172 = arith.constant 0 : i32
        %dma_start3A_173 = tpu.memref_slice %arg13[%dma_start3A_171, %dma_start3A_172] : memref<10000x32xf32, #tpu.memory_space<vmem_shared>> -> memref<10000x32xf32, #tpu.memory_space<vmem_shared>>
        tpu.enqueue_indirect_dma source(%dma_start3A_173 : memref<10000x32xf32, #tpu.memory_space<vmem_shared>>) target(%arg9 : memref<128x32xf32, #tpu.memory_space<vmem>>) offsets(%dma_start3A_170 : memref<128xi32, #tpu.memory_space<vmem>>) semaphore(%arg15 : memref<!tpu.dma_semaphore, #tpu.memory_space<semaphore_mem>>)
      } else {
      }
      %add3A_129 = arith.constant 2 : i32
      %add3A_130 = arith.addi %mul3A_49, %add3A_129 : i32
      %dma_start3A_131 = arith.constant 0 : i32
      %dma_start3A_132 = tpu.memref_slice %arg8[%add3A_130, %dma_start3A_131] : memref<80x128xi32, #tpu.memory_space<vmem>> -> memref<1x128xi32, #tpu.memory_space<vmem>>
      %dma_start3A_133 = tpu.memref_squeeze %dma_start3A_132 : memref<1x128xi32, #tpu.memory_space<vmem>> -> memref<128xi32, #tpu.memory_space<vmem>>
      %dma_start3A_134 = arith.constant 0 : i32
      %dma_start3A_135 = arith.constant 0 : i32
      %dma_start3A_136 = tpu.memref_slice %arg14[%dma_start3A_134, %dma_start3A_135] : memref<10240x32xf32, #tpu.memory_space<vmem_shared>> -> memref<10240x32xf32, #tpu.memory_space<vmem_shared>>
      tpu.enqueue_indirect_dma source(%arg11 : memref<128x32xf32, #tpu.memory_space<vmem>>) target(%dma_start3A_136 : memref<10240x32xf32, #tpu.memory_space<vmem_shared>>) offsets(%dma_start3A_133 : memref<128xi32, #tpu.memory_space<vmem>>) semaphore(%arg16 : memref<!tpu.dma_semaphore, #tpu.memory_space<semaphore_mem>>) {add = true}
      %dma_wait3A_137 = arith.constant 0 : i32
      %dma_wait3A_138 = arith.constant 0 : i32
      %dma_wait3A_139 = tpu.memref_slice %arg7[%dma_wait3A_137, %dma_wait3A_138] : memref<80x128xi32, #tpu.memory_space<vmem>> -> memref<1x128xi32, #tpu.memory_space<vmem>>
      %dma_wait3A_140 = tpu.memref_squeeze %dma_wait3A_139 : memref<1x128xi32, #tpu.memory_space<vmem>> -> memref<128xi32, #tpu.memory_space<vmem>>
      %dma_wait3A_141 = arith.constant 0 : i32
      %dma_wait3A_142 = arith.constant 0 : i32
      %dma_wait3A_143 = tpu.memref_slice %arg13[%dma_wait3A_141, %dma_wait3A_142] : memref<10000x32xf32, #tpu.memory_space<vmem_shared>> -> memref<10000x32xf32, #tpu.memory_space<vmem_shared>>
      tpu.wait_indirect_dma semaphore(%arg15 : memref<!tpu.dma_semaphore, #tpu.memory_space<semaphore_mem>>) src(%dma_wait3A_143 : memref<10000x32xf32, #tpu.memory_space<vmem_shared>>) dst(%arg12 : memref<128x32xf32, #tpu.memory_space<vmem>>)
      %dma_wait3A_144 = arith.constant 0 : i32
      %dma_wait3A_145 = arith.constant 0 : i32
      %dma_wait3A_146 = tpu.memref_slice %arg8[%dma_wait3A_144, %dma_wait3A_145] : memref<80x128xi32, #tpu.memory_space<vmem>> -> memref<1x128xi32, #tpu.memory_space<vmem>>
      %dma_wait3A_147 = tpu.memref_squeeze %dma_wait3A_146 : memref<1x128xi32, #tpu.memory_space<vmem>> -> memref<128xi32, #tpu.memory_space<vmem>>
      %dma_wait3A_148 = arith.constant 0 : i32
      %dma_wait3A_149 = arith.constant 0 : i32
      %dma_wait3A_150 = tpu.memref_slice %arg14[%dma_wait3A_148, %dma_wait3A_149] : memref<10240x32xf32, #tpu.memory_space<vmem_shared>> -> memref<10240x32xf32, #tpu.memory_space<vmem_shared>>
      tpu.wait_indirect_dma semaphore(%arg16 : memref<!tpu.dma_semaphore, #tpu.memory_space<semaphore_mem>>) src(%arg10 : memref<128x32xf32, #tpu.memory_space<vmem>>) dst(%dma_wait3A_150 : memref<10240x32xf32, #tpu.memory_space<vmem_shared>>)
      %lt3A_151 = arith.constant 19 : i32
      %lt3A_152 = arith.cmpi slt, %scan3A_47, %lt3A_151 : i32
      %add3A_153 = arith.constant 3 : i32
      %add3A_154 = arith.addi %mul3A_49, %add3A_153 : i32
      %add3A_155 = arith.constant 2 : i32
      %add3A_156 = arith.addi %add3A_154, %add3A_155 : i32
      %convert_element_type3A_157 = arith.extui %lt3A_152 : i1 to i32
      %cond3A_158 = arith.constant 0 : i32
      %cond3A_159 = arith.cmpi ne, %convert_element_type3A_157, %cond3A_158 : i32
      scf.if %cond3A_159 {
        %dma_start3A_168 = arith.constant 0 : i32
        %dma_start3A_169 = tpu.memref_slice %arg7[%add3A_156, %dma_start3A_168] : memref<80x128xi32, #tpu.memory_space<vmem>> -> memref<1x128xi32, #tpu.memory_space<vmem>>
        %dma_start3A_170 = tpu.memref_squeeze %dma_start3A_169 : memref<1x128xi32, #tpu.memory_space<vmem>> -> memref<128xi32, #tpu.memory_space<vmem>>
        %dma_start3A_171 = arith.constant 0 : i32
        %dma_start3A_172 = arith.constant 0 : i32
        %dma_start3A_173 = tpu.memref_slice %arg13[%dma_start3A_171, %dma_start3A_172] : memref<10000x32xf32, #tpu.memory_space<vmem_shared>> -> memref<10000x32xf32, #tpu.memory_space<vmem_shared>>
        tpu.enqueue_indirect_dma source(%dma_start3A_173 : memref<10000x32xf32, #tpu.memory_space<vmem_shared>>) target(%arg10 : memref<128x32xf32, #tpu.memory_space<vmem>>) offsets(%dma_start3A_170 : memref<128xi32, #tpu.memory_space<vmem>>) semaphore(%arg15 : memref<!tpu.dma_semaphore, #tpu.memory_space<semaphore_mem>>)
      } else {
      }
      %add3A_160 = arith.constant 3 : i32
      %add3A_161 = arith.addi %mul3A_49, %add3A_160 : i32
      %dma_start3A_162 = arith.constant 0 : i32
      %dma_start3A_163 = tpu.memref_slice %arg8[%add3A_161, %dma_start3A_162] : memref<80x128xi32, #tpu.memory_space<vmem>> -> memref<1x128xi32, #tpu.memory_space<vmem>>
      %dma_start3A_164 = tpu.memref_squeeze %dma_start3A_163 : memref<1x128xi32, #tpu.memory_space<vmem>> -> memref<128xi32, #tpu.memory_space<vmem>>
      %dma_start3A_165 = arith.constant 0 : i32
      %dma_start3A_166 = arith.constant 0 : i32
      %dma_start3A_167 = tpu.memref_slice %arg14[%dma_start3A_165, %dma_start3A_166] : memref<10240x32xf32, #tpu.memory_space<vmem_shared>> -> memref<10240x32xf32, #tpu.memory_space<vmem_shared>>
      tpu.enqueue_indirect_dma source(%arg12 : memref<128x32xf32, #tpu.memory_space<vmem>>) target(%dma_start3A_167 : memref<10240x32xf32, #tpu.memory_space<vmem_shared>>) offsets(%dma_start3A_164 : memref<128xi32, #tpu.memory_space<vmem>>) semaphore(%arg16 : memref<!tpu.dma_semaphore, #tpu.memory_space<semaphore_mem>>) {add = true}
    }
    %scan3A_28 = arith.constant 20 : i32
    %dma_wait3A = arith.constant 0 : i32
    %dma_wait3A_29 = arith.constant 0 : i32
    %dma_wait3A_30 = tpu.memref_slice %arg8[%dma_wait3A, %dma_wait3A_29] : memref<80x128xi32, #tpu.memory_space<vmem>> -> memref<1x128xi32, #tpu.memory_space<vmem>>
    %dma_wait3A_31 = tpu.memref_squeeze %dma_wait3A_30 : memref<1x128xi32, #tpu.memory_space<vmem>> -> memref<128xi32, #tpu.memory_space<vmem>>
    %dma_wait3A_32 = arith.constant 0 : i32
    %dma_wait3A_33 = arith.constant 0 : i32
    %dma_wait3A_34 = tpu.memref_slice %arg14[%dma_wait3A_32, %dma_wait3A_33] : memref<10240x32xf32, #tpu.memory_space<vmem_shared>> -> memref<10240x32xf32, #tpu.memory_space<vmem_shared>>
    tpu.wait_indirect_dma semaphore(%arg16 : memref<!tpu.dma_semaphore, #tpu.memory_space<semaphore_mem>>) src(%arg11 : memref<128x32xf32, #tpu.memory_space<vmem>>) dst(%dma_wait3A_34 : memref<10240x32xf32, #tpu.memory_space<vmem_shared>>)
    %dma_wait3A_35 = arith.constant 0 : i32
    %dma_wait3A_36 = arith.constant 0 : i32
    %dma_wait3A_37 = tpu.memref_slice %arg8[%dma_wait3A_35, %dma_wait3A_36] : memref<80x128xi32, #tpu.memory_space<vmem>> -> memref<1x128xi32, #tpu.memory_space<vmem>>
    %dma_wait3A_38 = tpu.memref_squeeze %dma_wait3A_37 : memref<1x128xi32, #tpu.memory_space<vmem>> -> memref<128xi32, #tpu.memory_space<vmem>>
    %dma_wait3A_39 = arith.constant 0 : i32
    %dma_wait3A_40 = arith.constant 0 : i32
    %dma_wait3A_41 = tpu.memref_slice %arg14[%dma_wait3A_39, %dma_wait3A_40] : memref<10240x32xf32, #tpu.memory_space<vmem_shared>> -> memref<10240x32xf32, #tpu.memory_space<vmem_shared>>
    tpu.wait_indirect_dma semaphore(%arg16 : memref<!tpu.dma_semaphore, #tpu.memory_space<semaphore_mem>>) src(%arg12 : memref<128x32xf32, #tpu.memory_space<vmem>>) dst(%dma_wait3A_41 : memref<10240x32xf32, #tpu.memory_space<vmem_shared>>)
    %barrier3A_42 = arith.constant 0 : index
    tpu.barrier barrier_id(%barrier3A_42)
    %mul3A_43 = arith.constant 625 : i32
    %mul3A_44 = arith.muli %arg1, %mul3A_43 : i32
    %mul3A_45 = arith.constant 625 : i32
    %mul3A_46 = arith.muli %arg1, %mul3A_45 : i32
    "tpu.region"() ({
      %run_scoped3A = tpu.sem_alloc : memref<!tpu.dma_semaphore, #tpu.memory_space<semaphore_mem>>
      %dma_start3A_47 = arith.constant 0 : i32
      %dma_start3A_48 = tpu.memref_slice %arg6[%arg0, %mul3A_46, %dma_start3A_47] : memref<2x10000x32xf32, #tpu.memory_space<hbm>> -> memref<1x625x32xf32, #tpu.memory_space<hbm>>
      %dma_start3A_49 = tpu.memref_squeeze %dma_start3A_48 : memref<1x625x32xf32, #tpu.memory_space<hbm>> -> memref<625x32xf32, #tpu.memory_space<hbm>>
      %dma_start3A_50 = arith.constant 0 : i32
      %dma_start3A_51 = tpu.memref_slice %arg14[%mul3A_44, %dma_start3A_50] : memref<10240x32xf32, #tpu.memory_space<vmem_shared>> -> memref<625x32xf32, #tpu.memory_space<vmem_shared>>
      tpu.enqueue_dma source(%dma_start3A_51 : memref<625x32xf32, #tpu.memory_space<vmem_shared>>) target(%dma_start3A_49 : memref<625x32xf32, #tpu.memory_space<hbm>>) target_semaphore(%run_scoped3A : memref<!tpu.dma_semaphore, #tpu.memory_space<semaphore_mem>>)
      %dma_wait3A_52 = arith.constant 0 : i32
      %dma_wait3A_53 = tpu.memref_slice %arg6[%arg0, %mul3A_46, %dma_wait3A_52] : memref<2x10000x32xf32, #tpu.memory_space<hbm>> -> memref<1x625x32xf32, #tpu.memory_space<hbm>>
      %dma_wait3A_54 = tpu.memref_squeeze %dma_wait3A_53 : memref<1x625x32xf32, #tpu.memory_space<hbm>> -> memref<625x32xf32, #tpu.memory_space<hbm>>
      %dma_wait3A_55 = arith.constant 0 : i32
      %dma_wait3A_56 = tpu.memref_slice %arg14[%mul3A_44, %dma_wait3A_55] : memref<10240x32xf32, #tpu.memory_space<vmem_shared>> -> memref<625x32xf32, #tpu.memory_space<vmem_shared>>
      tpu.wait_dma2 semaphore(%run_scoped3A : memref<!tpu.dma_semaphore, #tpu.memory_space<semaphore_mem>>) src(%dma_wait3A_56 : memref<625x32xf32, #tpu.memory_space<vmem_shared>>) dst(%dma_wait3A_54 : memref<625x32xf32, #tpu.memory_space<hbm>>)
      tpu.yield
    }) : () -> ()
    return
  }
}

module attributes {stable_mosaic.version = 14 : i64} {
  func.func @_k0_body(%arg0: i32, %arg1: memref<2000x128xf32, #tpu.memory_space<vmem>>, %arg2: memref<128x32xf32, #tpu.memory_space<vmem>>, %arg3: memref<128x32xf32, #tpu.memory_space<vmem>>, %arg4: memref<1x32xf32, #tpu.memory_space<vmem>>, %arg5: memref<2000x48xf32, #tpu.memory_space<vmem>>, %arg6: memref<2000x32xf32, #tpu.memory_space<vmem>>) attributes {dimension_semantics = [#tpu.dimension_semantics<arbitrary>], iteration_bounds = array<i64: 5>, scalar_prefetch = 0 : i64, scratch_operands = 0 : i64, tpu.core_type = #tpu.core_type<tc>, window_params = [{transform_indices = @transform_0, window_bounds = array<i64: 2000, 128>}, {pipeline_mode = #tpu.pipeline_mode<synchronous>, transform_indices = @transform_1, window_bounds = array<i64: 128, 32>}, {pipeline_mode = #tpu.pipeline_mode<synchronous>, transform_indices = @transform_2, window_bounds = array<i64: 128, 32>}, {pipeline_mode = #tpu.pipeline_mode<synchronous>, transform_indices = @transform_3, window_bounds = array<i64: 1, 32>}, {transform_indices = @transform_4, window_bounds = array<i64: 2000, 48>}, {transform_indices = @transform_5, window_bounds = array<i64: 2000, 32>}]} {
    %get3A = arith.constant 0 : index
    %get3A_0 = arith.constant 0 : index
    %get3A_1 = vector.load %arg1[%get3A, %get3A_0] : memref<2000x128xf32, #tpu.memory_space<vmem>>, vector<2000x128xf32>
    %get3A_2 = arith.constant 0 : index
    %get3A_3 = arith.constant 0 : index
    %get3A_4 = vector.load %arg2[%get3A_2, %get3A_3] : memref<128x32xf32, #tpu.memory_space<vmem>>, vector<128x32xf32>
    %dot_general3A = arith.constant dense<0.000000e+00> : vector<2000x32xf32>
    %dot_general3A_5 = tpu.matmul %get3A_1, %get3A_4, %dot_general3A {dimension_numbers = #tpu.dot_dimension_numbers<[1], [0], [0], [1], [0, 0, 1, 1], [], []>, transpose_lhs_hint = false} : vector<2000x128xf32>, vector<128x32xf32>, vector<2000x32xf32> -> vector<2000x32xf32>
    %broadcast_in_dim3A = arith.constant 1.000000e+00 : f32
    %broadcast_in_dim3A_6 = vector.broadcast %broadcast_in_dim3A : f32 to vector<2000x1xf32>
    %broadcast_in_dim3A_7 = arith.constant 0.000000e+00 : f32
    %broadcast_in_dim3A_8 = vector.broadcast %broadcast_in_dim3A_7 : f32 to vector<2000x15xf32>
    %concatenate3A = tpu.concatenate %dot_general3A_5, %broadcast_in_dim3A_6, %broadcast_in_dim3A_8 in 1 : vector<2000x32xf32>, vector<2000x1xf32>, vector<2000x15xf32> -> vector<2000x48xf32>
    %swap3A = arith.constant 0 : index
    %swap3A_9 = arith.constant 0 : index
    %swap3A_10 = vector.load %arg5[%swap3A, %swap3A_9] : memref<2000x48xf32, #tpu.memory_space<vmem>>, vector<2000x48xf32>
    tpu.vector_store %arg5[%swap3A, %swap3A_9], %concatenate3A {strides = array<i32>} : memref<2000x48xf32, #tpu.memory_space<vmem>>, vector<2000x48xf32>,
    %get3A_11 = arith.constant 0 : index
    %get3A_12 = arith.constant 0 : index
    %get3A_13 = vector.load %arg3[%get3A_11, %get3A_12] : memref<128x32xf32, #tpu.memory_space<vmem>>, vector<128x32xf32>
    %dot_general3A_14 = arith.constant dense<0.000000e+00> : vector<2000x32xf32>
    %dot_general3A_15 = tpu.matmul %get3A_1, %get3A_13, %dot_general3A_14 {dimension_numbers = #tpu.dot_dimension_numbers<[1], [0], [0], [1], [0, 0, 1, 1], [], []>, transpose_lhs_hint = false} : vector<2000x128xf32>, vector<128x32xf32>, vector<2000x32xf32> -> vector<2000x32xf32>
    %get3A_16 = arith.constant 0 : index
    %get3A_17 = arith.constant 0 : index
    %get3A_18 = vector.load %arg4[%get3A_16, %get3A_17] : memref<1x32xf32, #tpu.memory_space<vmem>>, vector<1x32xf32>
    %add3A = vector.broadcast %get3A_18 : vector<1x32xf32> to vector<2000x32xf32>
    %add3A_19 = arith.addf %dot_general3A_15, %add3A : vector<2000x32xf32>
    %swap3A_20 = arith.constant 0 : index
    %swap3A_21 = arith.constant 0 : index
    %swap3A_22 = vector.load %arg6[%swap3A_20, %swap3A_21] : memref<2000x32xf32, #tpu.memory_space<vmem>>, vector<2000x32xf32>
    tpu.vector_store %arg6[%swap3A_20, %swap3A_21], %add3A_19 {strides = array<i32>} : memref<2000x32xf32, #tpu.memory_space<vmem>>, vector<2000x32xf32>,
    return
  }
  func.func @transform_0(%arg0: i32) -> (i32, i32) {
    %c0_i32 = arith.constant 0 : i32
    %c0_i32_0 = arith.constant 0 : i32
    return %arg0, %c0_i32 : i32, i32
  }
  func.func @transform_1(%arg0: i32) -> (i32, i32) {
    %c0_i32 = arith.constant 0 : i32
    %c0_i32_0 = arith.constant 0 : i32
    %c0_i32_1 = arith.constant 0 : i32
    return %c0_i32, %c0_i32_0 : i32, i32
  }
  func.func @transform_2(%arg0: i32) -> (i32, i32) {
    %c0_i32 = arith.constant 0 : i32
    %c0_i32_0 = arith.constant 0 : i32
    %c0_i32_1 = arith.constant 0 : i32
    return %c0_i32, %c0_i32_0 : i32, i32
  }
  func.func @transform_3(%arg0: i32) -> (i32, i32) {
    %c0_i32 = arith.constant 0 : i32
    %c0_i32_0 = arith.constant 0 : i32
    %c0_i32_1 = arith.constant 0 : i32
    return %c0_i32, %c0_i32_0 : i32, i32
  }
  func.func @transform_4(%arg0: i32) -> (i32, i32) {
    %c0_i32 = arith.constant 0 : i32
    %c0_i32_0 = arith.constant 0 : i32
    return %arg0, %c0_i32 : i32, i32
  }
  func.func @transform_5(%arg0: i32) -> (i32, i32) {
    %c0_i32 = arith.constant 0 : i32
    %c0_i32_0 = arith.constant 0 : i32
    return %arg0, %c0_i32 : i32, i32
  }
}

module attributes {stable_mosaic.version = 14 : i64} {
  func.func @_k1_body(%arg0: i32, %arg1: memref<2x2000x48xf32, #tpu.memory_space<vmem>>, %arg2: memref<2000x32xf32, #tpu.memory_space<vmem>>, %arg3: memref<32x32xf32, #tpu.memory_space<vmem>>, %arg4: memref<32x32xf32, #tpu.memory_space<vmem>>, %arg5: memref<1x32xf32, #tpu.memory_space<vmem>>, %arg6: memref<2000x32xf32, #tpu.memory_space<vmem>>, %arg7: memref<2000x32xf32, #tpu.memory_space<vmem>>, %arg8: memref<2000x1xf32, #tpu.memory_space<vmem>>) attributes {dimension_semantics = [#tpu.dimension_semantics<arbitrary>], iteration_bounds = array<i64: 5>, scalar_prefetch = 0 : i64, scratch_operands = 0 : i64, tpu.core_type = #tpu.core_type<tc>, window_params = [{transform_indices = @transform_0, window_bounds = array<i64: 2, 2000, 48>}, {transform_indices = @transform_1, window_bounds = array<i64: 2000, 32>}, {pipeline_mode = #tpu.pipeline_mode<synchronous>, transform_indices = @transform_2, window_bounds = array<i64: 32, 32>}, {pipeline_mode = #tpu.pipeline_mode<synchronous>, transform_indices = @transform_3, window_bounds = array<i64: 32, 32>}, {pipeline_mode = #tpu.pipeline_mode<synchronous>, transform_indices = @transform_4, window_bounds = array<i64: 1, 32>}, {transform_indices = @transform_5, window_bounds = array<i64: 2000, 32>}, {transform_indices = @transform_6, window_bounds = array<i64: 2000, 32>}, {transform_indices = @transform_7, window_bounds = array<i64: 2000, 1>}]} {
    %get3A = arith.constant 0 : index
    %get3A_0 = arith.constant 0 : index
    %get3A_1 = arith.constant 0 : index
    %get3A_2 = vector.load %arg1[%get3A, %get3A_0, %get3A_1] : memref<2x2000x48xf32, #tpu.memory_space<vmem>>, vector<1x2000x48xf32>
    %get3A_3 = vector.shape_cast %get3A_2 : vector<1x2000x48xf32> to vector<2000x48xf32>
    %get3A_4 = arith.constant 1 : index
    %get3A_5 = arith.constant 0 : index
    %get3A_6 = arith.constant 0 : index
    %get3A_7 = vector.load %arg1[%get3A_4, %get3A_5, %get3A_6] : memref<2x2000x48xf32, #tpu.memory_space<vmem>>, vector<1x2000x48xf32>
    %get3A_8 = vector.shape_cast %get3A_7 : vector<1x2000x48xf32> to vector<2000x48xf32>
    %slice3A = vector.extract_strided_slice %get3A_3 {offsets = [0, 32], sizes = [2000, 1], strides = [1, 1]} : vector<2000x48xf32> to vector<2000x1xf32>
    %slice3A_9 = vector.extract_strided_slice %get3A_8 {offsets = [0, 32], sizes = [2000, 1], strides = [1, 1]} : vector<2000x48xf32> to vector<2000x1xf32>
    %add3A = arith.addf %slice3A, %slice3A_9 : vector<2000x1xf32>
    %slice3A_10 = vector.extract_strided_slice %get3A_3 {offsets = [0, 0], sizes = [2000, 32], strides = [1, 1]} : vector<2000x48xf32> to vector<2000x32xf32>
    %slice3A_11 = vector.extract_strided_slice %get3A_8 {offsets = [0, 0], sizes = [2000, 32], strides = [1, 1]} : vector<2000x48xf32> to vector<2000x32xf32>
    %add3A_12 = arith.addf %slice3A_10, %slice3A_11 : vector<2000x32xf32>
    %max3A = arith.constant 1.000000e+00 : f32
    %max3A_13 = vector.broadcast %max3A : f32 to vector<2000x1xf32>
    %max3A_14 = arith.maximumf %add3A, %max3A_13 : vector<2000x1xf32>
    %div3A = vector.broadcast %max3A_14 : vector<2000x1xf32> to vector<2000x32xf32>
    %div3A_15 = arith.divf %add3A_12, %div3A : vector<2000x32xf32>
    %get3A_16 = arith.constant 0 : index
    %get3A_17 = arith.constant 0 : index
    %get3A_18 = vector.load %arg2[%get3A_16, %get3A_17] : memref<2000x32xf32, #tpu.memory_space<vmem>>, vector<2000x32xf32>
    %add3A_19 = arith.addf %div3A_15, %get3A_18 : vector<2000x32xf32>
    %max3A_20 = arith.constant 0.000000e+00 : f32
    %max3A_21 = vector.broadcast %max3A_20 : f32 to vector<2000x32xf32>
    %max3A_22 = arith.maximumf %add3A_19, %max3A_21 : vector<2000x32xf32>
    %get3A_23 = arith.constant 0 : index
    %get3A_24 = arith.constant 0 : index
    %get3A_25 = vector.load %arg3[%get3A_23, %get3A_24] : memref<32x32xf32, #tpu.memory_space<vmem>>, vector<32x32xf32>
    %dot_general3A = arith.constant dense<0.000000e+00> : vector<2000x32xf32>
    %dot_general3A_26 = tpu.matmul %max3A_22, %get3A_25, %dot_general3A {dimension_numbers = #tpu.dot_dimension_numbers<[1], [0], [0], [1], [0, 0, 1, 1], [], []>, transpose_lhs_hint = false} : vector<2000x32xf32>, vector<32x32xf32>, vector<2000x32xf32> -> vector<2000x32xf32>
    %swap3A = arith.constant 0 : index
    %swap3A_27 = arith.constant 0 : index
    %swap3A_28 = vector.load %arg6[%swap3A, %swap3A_27] : memref<2000x32xf32, #tpu.memory_space<vmem>>, vector<2000x32xf32>
    tpu.vector_store %arg6[%swap3A, %swap3A_27], %dot_general3A_26 {strides = array<i32>} : memref<2000x32xf32, #tpu.memory_space<vmem>>, vector<2000x32xf32>,
    %get3A_29 = arith.constant 0 : index
    %get3A_30 = arith.constant 0 : index
    %get3A_31 = vector.load %arg4[%get3A_29, %get3A_30] : memref<32x32xf32, #tpu.memory_space<vmem>>, vector<32x32xf32>
    %dot_general3A_32 = arith.constant dense<0.000000e+00> : vector<2000x32xf32>
    %dot_general3A_33 = tpu.matmul %max3A_22, %get3A_31, %dot_general3A_32 {dimension_numbers = #tpu.dot_dimension_numbers<[1], [0], [0], [1], [0, 0, 1, 1], [], []>, transpose_lhs_hint = false} : vector<2000x32xf32>, vector<32x32xf32>, vector<2000x32xf32> -> vector<2000x32xf32>
    %get3A_34 = arith.constant 0 : index
    %get3A_35 = arith.constant 0 : index
    %get3A_36 = vector.load %arg5[%get3A_34, %get3A_35] : memref<1x32xf32, #tpu.memory_space<vmem>>, vector<1x32xf32>
    %add3A_37 = vector.broadcast %get3A_36 : vector<1x32xf32> to vector<2000x32xf32>
    %add3A_38 = arith.addf %dot_general3A_33, %add3A_37 : vector<2000x32xf32>
    %swap3A_39 = arith.constant 0 : index
    %swap3A_40 = arith.constant 0 : index
    %swap3A_41 = vector.load %arg7[%swap3A_39, %swap3A_40] : memref<2000x32xf32, #tpu.memory_space<vmem>>, vector<2000x32xf32>
    tpu.vector_store %arg7[%swap3A_39, %swap3A_40], %add3A_38 {strides = array<i32>} : memref<2000x32xf32, #tpu.memory_space<vmem>>, vector<2000x32xf32>,
    %swap3A_42 = arith.constant 0 : index
    %swap3A_43 = arith.constant 0 : index
    %swap3A_44 = vector.load %arg8[%swap3A_42, %swap3A_43] : memref<2000x1xf32, #tpu.memory_space<vmem>>, vector<2000x1xf32>
    tpu.vector_store %arg8[%swap3A_42, %swap3A_43], %add3A {strides = array<i32>} : memref<2000x1xf32, #tpu.memory_space<vmem>>, vector<2000x1xf32>,
    return
  }
  func.func @transform_0(%arg0: i32) -> (i32, i32, i32) {
    %c0_i32 = arith.constant 0 : i32
    %c0_i32_0 = arith.constant 0 : i32
    %c0_i32_1 = arith.constant 0 : i32
    return %c0_i32, %arg0, %c0_i32_0 : i32, i32, i32
  }
  func.func @transform_1(%arg0: i32) -> (i32, i32) {
    %c0_i32 = arith.constant 0 : i32
    %c0_i32_0 = arith.constant 0 : i32
    return %arg0, %c0_i32 : i32, i32
  }
  func.func @transform_2(%arg0: i32) -> (i32, i32) {
    %c0_i32 = arith.constant 0 : i32
    %c0_i32_0 = arith.constant 0 : i32
    %c0_i32_1 = arith.constant 0 : i32
    return %c0_i32, %c0_i32_0 : i32, i32
  }
  func.func @transform_3(%arg0: i32) -> (i32, i32) {
    %c0_i32 = arith.constant 0 : i32
    %c0_i32_0 = arith.constant 0 : i32
    %c0_i32_1 = arith.constant 0 : i32
    return %c0_i32, %c0_i32_0 : i32, i32
  }
  func.func @transform_4(%arg0: i32) -> (i32, i32) {
    %c0_i32 = arith.constant 0 : i32
    %c0_i32_0 = arith.constant 0 : i32
    %c0_i32_1 = arith.constant 0 : i32
    return %c0_i32, %c0_i32_0 : i32, i32
  }
  func.func @transform_5(%arg0: i32) -> (i32, i32) {
    %c0_i32 = arith.constant 0 : i32
    %c0_i32_0 = arith.constant 0 : i32
    return %arg0, %c0_i32 : i32, i32
  }
  func.func @transform_6(%arg0: i32) -> (i32, i32) {
    %c0_i32 = arith.constant 0 : i32
    %c0_i32_0 = arith.constant 0 : i32
    return %arg0, %c0_i32 : i32, i32
  }
  func.func @transform_7(%arg0: i32) -> (i32, i32) {
    %c0_i32 = arith.constant 0 : i32
    %c0_i32_0 = arith.constant 0 : i32
    return %arg0, %c0_i32 : i32, i32
  }
}

module attributes {stable_mosaic.version = 14 : i64} {
  func.func @_k2_body(%arg0: i32, %arg1: memref<2x2000x32xf32, #tpu.memory_space<vmem>>, %arg2: memref<2000x32xf32, #tpu.memory_space<vmem>>, %arg3: memref<2000x1xf32, #tpu.memory_space<vmem>>, %arg4: memref<32x32xf32, #tpu.memory_space<vmem>>, %arg5: memref<32x32xf32, #tpu.memory_space<vmem>>, %arg6: memref<1x32xf32, #tpu.memory_space<vmem>>, %arg7: memref<2000x32xf32, #tpu.memory_space<vmem>>, %arg8: memref<2000x32xf32, #tpu.memory_space<vmem>>) attributes {dimension_semantics = [#tpu.dimension_semantics<arbitrary>], iteration_bounds = array<i64: 5>, scalar_prefetch = 0 : i64, scratch_operands = 0 : i64, tpu.core_type = #tpu.core_type<tc>, window_params = [{transform_indices = @transform_0, window_bounds = array<i64: 2, 2000, 32>}, {transform_indices = @transform_1, window_bounds = array<i64: 2000, 32>}, {transform_indices = @transform_2, window_bounds = array<i64: 2000, 1>}, {pipeline_mode = #tpu.pipeline_mode<synchronous>, transform_indices = @transform_3, window_bounds = array<i64: 32, 32>}, {pipeline_mode = #tpu.pipeline_mode<synchronous>, transform_indices = @transform_4, window_bounds = array<i64: 32, 32>}, {pipeline_mode = #tpu.pipeline_mode<synchronous>, transform_indices = @transform_5, window_bounds = array<i64: 1, 32>}, {transform_indices = @transform_6, window_bounds = array<i64: 2000, 32>}, {transform_indices = @transform_7, window_bounds = array<i64: 2000, 32>}]} {
    %get3A = arith.constant 0 : index
    %get3A_0 = arith.constant 0 : index
    %get3A_1 = arith.constant 0 : index
    %get3A_2 = vector.load %arg1[%get3A, %get3A_0, %get3A_1] : memref<2x2000x32xf32, #tpu.memory_space<vmem>>, vector<1x2000x32xf32>
    %get3A_3 = vector.shape_cast %get3A_2 : vector<1x2000x32xf32> to vector<2000x32xf32>
    %get3A_4 = arith.constant 1 : index
    %get3A_5 = arith.constant 0 : index
    %get3A_6 = arith.constant 0 : index
    %get3A_7 = vector.load %arg1[%get3A_4, %get3A_5, %get3A_6] : memref<2x2000x32xf32, #tpu.memory_space<vmem>>, vector<1x2000x32xf32>
    %get3A_8 = vector.shape_cast %get3A_7 : vector<1x2000x32xf32> to vector<2000x32xf32>
    %add3A = arith.addf %get3A_3, %get3A_8 : vector<2000x32xf32>
    %get3A_9 = arith.constant 0 : index
    %get3A_10 = arith.constant 0 : index
    %get3A_11 = vector.load %arg3[%get3A_9, %get3A_10] : memref<2000x1xf32, #tpu.memory_space<vmem>>, vector<2000x1xf32>
    %max3A = arith.constant 1.000000e+00 : f32
    %max3A_12 = vector.broadcast %max3A : f32 to vector<2000x1xf32>
    %max3A_13 = arith.maximumf %get3A_11, %max3A_12 : vector<2000x1xf32>
    %div3A = vector.broadcast %max3A_13 : vector<2000x1xf32> to vector<2000x32xf32>
    %div3A_14 = arith.divf %add3A, %div3A : vector<2000x32xf32>
    %get3A_15 = arith.constant 0 : index
    %get3A_16 = arith.constant 0 : index
    %get3A_17 = vector.load %arg2[%get3A_15, %get3A_16] : memref<2000x32xf32, #tpu.memory_space<vmem>>, vector<2000x32xf32>
    %add3A_18 = arith.addf %div3A_14, %get3A_17 : vector<2000x32xf32>
    %max3A_19 = arith.constant 0.000000e+00 : f32
    %max3A_20 = vector.broadcast %max3A_19 : f32 to vector<2000x32xf32>
    %max3A_21 = arith.maximumf %add3A_18, %max3A_20 : vector<2000x32xf32>
    %get3A_22 = arith.constant 0 : index
    %get3A_23 = arith.constant 0 : index
    %get3A_24 = vector.load %arg4[%get3A_22, %get3A_23] : memref<32x32xf32, #tpu.memory_space<vmem>>, vector<32x32xf32>
    %dot_general3A = arith.constant dense<0.000000e+00> : vector<2000x32xf32>
    %dot_general3A_25 = tpu.matmul %max3A_21, %get3A_24, %dot_general3A {dimension_numbers = #tpu.dot_dimension_numbers<[1], [0], [0], [1], [0, 0, 1, 1], [], []>, transpose_lhs_hint = false} : vector<2000x32xf32>, vector<32x32xf32>, vector<2000x32xf32> -> vector<2000x32xf32>
    %swap3A = arith.constant 0 : index
    %swap3A_26 = arith.constant 0 : index
    %swap3A_27 = vector.load %arg7[%swap3A, %swap3A_26] : memref<2000x32xf32, #tpu.memory_space<vmem>>, vector<2000x32xf32>
    tpu.vector_store %arg7[%swap3A, %swap3A_26], %dot_general3A_25 {strides = array<i32>} : memref<2000x32xf32, #tpu.memory_space<vmem>>, vector<2000x32xf32>,
    %get3A_28 = arith.constant 0 : index
    %get3A_29 = arith.constant 0 : index
    %get3A_30 = vector.load %arg5[%get3A_28, %get3A_29] : memref<32x32xf32, #tpu.memory_space<vmem>>, vector<32x32xf32>
    %dot_general3A_31 = arith.constant dense<0.000000e+00> : vector<2000x32xf32>
    %dot_general3A_32 = tpu.matmul %max3A_21, %get3A_30, %dot_general3A_31 {dimension_numbers = #tpu.dot_dimension_numbers<[1], [0], [0], [1], [0, 0, 1, 1], [], []>, transpose_lhs_hint = false} : vector<2000x32xf32>, vector<32x32xf32>, vector<2000x32xf32> -> vector<2000x32xf32>
    %get3A_33 = arith.constant 0 : index
    %get3A_34 = arith.constant 0 : index
    %get3A_35 = vector.load %arg6[%get3A_33, %get3A_34] : memref<1x32xf32, #tpu.memory_space<vmem>>, vector<1x32xf32>
    %add3A_36 = vector.broadcast %get3A_35 : vector<1x32xf32> to vector<2000x32xf32>
    %add3A_37 = arith.addf %dot_general3A_32, %add3A_36 : vector<2000x32xf32>
    %swap3A_38 = arith.constant 0 : index
    %swap3A_39 = arith.constant 0 : index
    %swap3A_40 = vector.load %arg8[%swap3A_38, %swap3A_39] : memref<2000x32xf32, #tpu.memory_space<vmem>>, vector<2000x32xf32>
    tpu.vector_store %arg8[%swap3A_38, %swap3A_39], %add3A_37 {strides = array<i32>} : memref<2000x32xf32, #tpu.memory_space<vmem>>, vector<2000x32xf32>,
    return
  }
  func.func @transform_0(%arg0: i32) -> (i32, i32, i32) {
    %c0_i32 = arith.constant 0 : i32
    %c0_i32_0 = arith.constant 0 : i32
    %c0_i32_1 = arith.constant 0 : i32
    return %c0_i32, %arg0, %c0_i32_0 : i32, i32, i32
  }
  func.func @transform_1(%arg0: i32) -> (i32, i32) {
    %c0_i32 = arith.constant 0 : i32
    %c0_i32_0 = arith.constant 0 : i32
    return %arg0, %c0_i32 : i32, i32
  }
  func.func @transform_2(%arg0: i32) -> (i32, i32) {
    %c0_i32 = arith.constant 0 : i32
    %c0_i32_0 = arith.constant 0 : i32
    return %arg0, %c0_i32 : i32, i32
  }
  func.func @transform_3(%arg0: i32) -> (i32, i32) {
    %c0_i32 = arith.constant 0 : i32
    %c0_i32_0 = arith.constant 0 : i32
    %c0_i32_1 = arith.constant 0 : i32
    return %c0_i32, %c0_i32_0 : i32, i32
  }
  func.func @transform_4(%arg0: i32) -> (i32, i32) {
    %c0_i32 = arith.constant 0 : i32
    %c0_i32_0 = arith.constant 0 : i32
    %c0_i32_1 = arith.constant 0 : i32
    return %c0_i32, %c0_i32_0 : i32, i32
  }
  func.func @transform_5(%arg0: i32) -> (i32, i32) {
    %c0_i32 = arith.constant 0 : i32
    %c0_i32_0 = arith.constant 0 : i32
    %c0_i32_1 = arith.constant 0 : i32
    return %c0_i32, %c0_i32_0 : i32, i32
  }
  func.func @transform_6(%arg0: i32) -> (i32, i32) {
    %c0_i32 = arith.constant 0 : i32
    %c0_i32_0 = arith.constant 0 : i32
    return %arg0, %c0_i32 : i32, i32
  }
  func.func @transform_7(%arg0: i32) -> (i32, i32) {
    %c0_i32 = arith.constant 0 : i32
    %c0_i32_0 = arith.constant 0 : i32
    return %arg0, %c0_i32 : i32, i32
  }
}

module attributes {stable_mosaic.version = 14 : i64} {
  func.func @_k3_body(%arg0: i32, %arg1: memref<2x2000x32xf32, #tpu.memory_space<vmem>>, %arg2: memref<2000x32xf32, #tpu.memory_space<vmem>>, %arg3: memref<2000x1xf32, #tpu.memory_space<vmem>>, %arg4: memref<2000x1xi32, #tpu.memory_space<vmem>>, %arg5: memref<32x32xf32, #tpu.memory_space<vmem>>, %arg6: memref<1x32xf32, #tpu.memory_space<vmem>>, %arg7: memref<32x8xf32, #tpu.memory_space<vmem>>, %arg8: memref<1x8xf32, #tpu.memory_space<vmem>>, %arg9: memref<32x8xf32, #tpu.memory_space<vmem>>, %arg10: memref<32x32xf32, #tpu.memory_space<vmem>>, %arg11: memref<32x32xf32, #tpu.memory_space<vmem>>) attributes {dimension_semantics = [#tpu.dimension_semantics<arbitrary>], iteration_bounds = array<i64: 5>, scalar_prefetch = 0 : i64, scratch_operands = 2 : i64, tpu.core_type = #tpu.core_type<tc>, window_params = [{transform_indices = @transform_0, window_bounds = array<i64: 2, 2000, 32>}, {transform_indices = @transform_1, window_bounds = array<i64: 2000, 32>}, {transform_indices = @transform_2, window_bounds = array<i64: 2000, 1>}, {transform_indices = @transform_3, window_bounds = array<i64: 2000, 1>}, {pipeline_mode = #tpu.pipeline_mode<synchronous>, transform_indices = @transform_4, window_bounds = array<i64: 32, 32>}, {pipeline_mode = #tpu.pipeline_mode<synchronous>, transform_indices = @transform_5, window_bounds = array<i64: 1, 32>}, {pipeline_mode = #tpu.pipeline_mode<synchronous>, transform_indices = @transform_6, window_bounds = array<i64: 32, 8>}, {pipeline_mode = #tpu.pipeline_mode<synchronous>, transform_indices = @transform_7, window_bounds = array<i64: 1, 8>}, {pipeline_mode = #tpu.pipeline_mode<synchronous>, transform_indices = @transform_8, window_bounds = array<i64: 32, 8>}]} {
    %eq3A = arith.constant 0 : i32
    %eq3A_0 = arith.cmpi eq, %arg0, %eq3A : i32
    %convert_element_type3A = arith.extui %eq3A_0 : i1 to i32
    %cond3A = arith.constant 0 : i32
    %cond3A_1 = arith.cmpi ne, %convert_element_type3A, %cond3A : i32
    scf.if %cond3A_1 {
      %broadcast_in_dim3A_53 = arith.constant 0.000000e+00 : f32
      %broadcast_in_dim3A_54 = vector.broadcast %broadcast_in_dim3A_53 : f32 to vector<32x32xf32>
      %swap3A_55 = arith.constant 0 : index
      %swap3A_56 = arith.constant 0 : index
      %swap3A_57 = vector.load %arg10[%swap3A_55, %swap3A_56] : memref<32x32xf32, #tpu.memory_space<vmem>>, vector<32x32xf32>
      tpu.vector_store %arg10[%swap3A_55, %swap3A_56], %broadcast_in_dim3A_54 {strides = array<i32>} : memref<32x32xf32, #tpu.memory_space<vmem>>, vector<32x32xf32>,
      %broadcast_in_dim3A_58 = arith.constant 0.000000e+00 : f32
      %broadcast_in_dim3A_59 = vector.broadcast %broadcast_in_dim3A_58 : f32 to vector<32x32xf32>
      %swap3A_60 = arith.constant 0 : index
      %swap3A_61 = arith.constant 0 : index
      %swap3A_62 = vector.load %arg11[%swap3A_60, %swap3A_61] : memref<32x32xf32, #tpu.memory_space<vmem>>, vector<32x32xf32>
      tpu.vector_store %arg11[%swap3A_60, %swap3A_61], %broadcast_in_dim3A_59 {strides = array<i32>} : memref<32x32xf32, #tpu.memory_space<vmem>>, vector<32x32xf32>,
    } else {
    }
    %get3A = arith.constant 0 : index
    %get3A_2 = arith.constant 0 : index
    %get3A_3 = arith.constant 0 : index
    %get3A_4 = vector.load %arg1[%get3A, %get3A_2, %get3A_3] : memref<2x2000x32xf32, #tpu.memory_space<vmem>>, vector<1x2000x32xf32>
    %get3A_5 = vector.shape_cast %get3A_4 : vector<1x2000x32xf32> to vector<2000x32xf32>
    %get3A_6 = arith.constant 1 : index
    %get3A_7 = arith.constant 0 : index
    %get3A_8 = arith.constant 0 : index
    %get3A_9 = vector.load %arg1[%get3A_6, %get3A_7, %get3A_8] : memref<2x2000x32xf32, #tpu.memory_space<vmem>>, vector<1x2000x32xf32>
    %get3A_10 = vector.shape_cast %get3A_9 : vector<1x2000x32xf32> to vector<2000x32xf32>
    %add3A = arith.addf %get3A_5, %get3A_10 : vector<2000x32xf32>
    %get3A_11 = arith.constant 0 : index
    %get3A_12 = arith.constant 0 : index
    %get3A_13 = vector.load %arg3[%get3A_11, %get3A_12] : memref<2000x1xf32, #tpu.memory_space<vmem>>, vector<2000x1xf32>
    %max3A = arith.constant 1.000000e+00 : f32
    %max3A_14 = vector.broadcast %max3A : f32 to vector<2000x1xf32>
    %max3A_15 = arith.maximumf %get3A_13, %max3A_14 : vector<2000x1xf32>
    %div3A = vector.broadcast %max3A_15 : vector<2000x1xf32> to vector<2000x32xf32>
    %div3A_16 = arith.divf %add3A, %div3A : vector<2000x32xf32>
    %get3A_17 = arith.constant 0 : index
    %get3A_18 = arith.constant 0 : index
    %get3A_19 = vector.load %arg2[%get3A_17, %get3A_18] : memref<2000x32xf32, #tpu.memory_space<vmem>>, vector<2000x32xf32>
    %add3A_20 = arith.addf %div3A_16, %get3A_19 : vector<2000x32xf32>
    %max3A_21 = arith.constant 0.000000e+00 : f32
    %max3A_22 = vector.broadcast %max3A_21 : f32 to vector<2000x32xf32>
    %max3A_23 = arith.maximumf %add3A_20, %max3A_22 : vector<2000x32xf32>
    %iota3A = tpu.iota {dimensions = array<i32: 1>} : vector<2000x32xi32>
    %get3A_24 = arith.constant 0 : index
    %get3A_25 = arith.constant 0 : index
    %get3A_26 = vector.load %arg4[%get3A_24, %get3A_25] : memref<2000x1xi32, #tpu.memory_space<vmem>>, vector<2000x1xi32>
    %eq3A_27 = vector.broadcast %get3A_26 : vector<2000x1xi32> to vector<2000x32xi32>
    %eq3A_28 = arith.cmpi eq, %eq3A_27, %iota3A : vector<2000x32xi32>
    %convert_element_type3A_29 = arith.extui %eq3A_28 : vector<2000x32xi1> to vector<2000x32xi32>
    %convert_element_type3A_30 = arith.sitofp %convert_element_type3A_29 : vector<2000x32xi32> to vector<2000x32xf32>
    %get3A_31 = arith.constant 0 : index
    %get3A_32 = arith.constant 0 : index
    %get3A_33 = vector.load %arg10[%get3A_31, %get3A_32] : memref<32x32xf32, #tpu.memory_space<vmem>>, vector<32x32xf32>
    %dot_general3A = arith.constant dense<0.000000e+00> : vector<32x32xf32>
    %dot_general3A_34 = tpu.matmul %convert_element_type3A_30, %max3A_23, %dot_general3A {dimension_numbers = #tpu.dot_dimension_numbers<[0], [0], [1], [1], [0, 1, 1, 1], [], []>, transpose_lhs_hint = false} : vector<2000x32xf32>, vector<2000x32xf32>, vector<32x32xf32> -> vector<32x32xf32>
    %add3A_35 = arith.addf %get3A_33, %dot_general3A_34 : vector<32x32xf32>
    %swap3A = arith.constant 0 : index
    %swap3A_36 = arith.constant 0 : index
    %swap3A_37 = vector.load %arg10[%swap3A, %swap3A_36] : memref<32x32xf32, #tpu.memory_space<vmem>>, vector<32x32xf32>
    tpu.vector_store %arg10[%swap3A, %swap3A_36], %add3A_35 {strides = array<i32>} : memref<32x32xf32, #tpu.memory_space<vmem>>, vector<32x32xf32>,
    %get3A_38 = arith.constant 0 : index
    %get3A_39 = arith.constant 0 : index
    %get3A_40 = vector.load %arg11[%get3A_38, %get3A_39] : memref<32x32xf32, #tpu.memory_space<vmem>>, vector<32x32xf32>
    %broadcast_in_dim3A = arith.constant 1.000000e+00 : f32
    %broadcast_in_dim3A_41 = vector.broadcast %broadcast_in_dim3A : f32 to vector<2000x32xf32>
    %dot_general3A_42 = arith.constant dense<0.000000e+00> : vector<32x32xf32>
    %dot_general3A_43 = tpu.matmul %convert_element_type3A_30, %broadcast_in_dim3A_41, %dot_general3A_42 {dimension_numbers = #tpu.dot_dimension_numbers<[0], [0], [1], [1], [0, 1, 1, 1], [], []>, transpose_lhs_hint = false} : vector<2000x32xf32>, vector<2000x32xf32>, vector<32x32xf32> -> vector<32x32xf32>
    %add3A_44 = arith.addf %get3A_40, %dot_general3A_43 : vector<32x32xf32>
    %swap3A_45 = arith.constant 0 : index
    %swap3A_46 = arith.constant 0 : index
    %swap3A_47 = vector.load %arg11[%swap3A_45, %swap3A_46] : memref<32x32xf32, #tpu.memory_space<vmem>>, vector<32x32xf32>
    tpu.vector_store %arg11[%swap3A_45, %swap3A_46], %add3A_44 {strides = array<i32>} : memref<32x32xf32, #tpu.memory_space<vmem>>, vector<32x32xf32>,
    %eq3A_48 = arith.constant 4 : i32
    %eq3A_49 = arith.cmpi eq, %arg0, %eq3A_48 : i32
    %convert_element_type3A_50 = arith.extui %eq3A_49 : i1 to i32
    %cond3A_51 = arith.constant 0 : i32
    %cond3A_52 = arith.cmpi ne, %convert_element_type3A_50, %cond3A_51 : i32
    scf.if %cond3A_52 {
      %get3A_53 = arith.constant 0 : index
      %get3A_54 = arith.constant 0 : index
      %get3A_55 = vector.load %arg10[%get3A_53, %get3A_54] : memref<32x32xf32, #tpu.memory_space<vmem>>, vector<32x32xf32>
      %get3A_56 = arith.constant 0 : index
      %get3A_57 = arith.constant 0 : index
      %get3A_58 = vector.load %arg11[%get3A_56, %get3A_57] : memref<32x32xf32, #tpu.memory_space<vmem>>, vector<32x32xf32>
      %max3A_59 = arith.constant 1.000000e+00 : f32
      %max3A_60 = vector.broadcast %max3A_59 : f32 to vector<32x32xf32>
      %max3A_61 = arith.maximumf %get3A_58, %max3A_60 : vector<32x32xf32>
      %div3A_62 = arith.divf %get3A_55, %max3A_61 : vector<32x32xf32>
      %get3A_63 = arith.constant 0 : index
      %get3A_64 = arith.constant 0 : index
      %get3A_65 = vector.load %arg5[%get3A_63, %get3A_64] : memref<32x32xf32, #tpu.memory_space<vmem>>, vector<32x32xf32>
      %dot_general3A_66 = arith.constant dense<0.000000e+00> : vector<32x32xf32>
      %dot_general3A_67 = tpu.matmul %div3A_62, %get3A_65, %dot_general3A_66 {dimension_numbers = #tpu.dot_dimension_numbers<[1], [0], [0], [1], [0, 0, 1, 1], [], []>, transpose_lhs_hint = false} : vector<32x32xf32>, vector<32x32xf32>, vector<32x32xf32> -> vector<32x32xf32>
      %get3A_68 = arith.constant 0 : index
      %get3A_69 = arith.constant 0 : index
      %get3A_70 = vector.load %arg6[%get3A_68, %get3A_69] : memref<1x32xf32, #tpu.memory_space<vmem>>, vector<1x32xf32>
      %add3A_71 = vector.broadcast %get3A_70 : vector<1x32xf32> to vector<32x32xf32>
      %add3A_72 = arith.addf %dot_general3A_67, %add3A_71 : vector<32x32xf32>
      %max3A_73 = arith.constant 0.000000e+00 : f32
      %max3A_74 = vector.broadcast %max3A_73 : f32 to vector<32x32xf32>
      %max3A_75 = arith.maximumf %add3A_72, %max3A_74 : vector<32x32xf32>
      %get3A_76 = arith.constant 0 : index
      %get3A_77 = arith.constant 0 : index
      %get3A_78 = vector.load %arg7[%get3A_76, %get3A_77] : memref<32x8xf32, #tpu.memory_space<vmem>>, vector<32x8xf32>
      %dot_general3A_79 = arith.constant dense<0.000000e+00> : vector<32x8xf32>
      %dot_general3A_80 = tpu.matmul %max3A_75, %get3A_78, %dot_general3A_79 {dimension_numbers = #tpu.dot_dimension_numbers<[1], [0], [0], [1], [0, 0, 1, 1], [], []>, transpose_lhs_hint = false} : vector<32x32xf32>, vector<32x8xf32>, vector<32x8xf32> -> vector<32x8xf32>
      %get3A_81 = arith.constant 0 : index
      %get3A_82 = arith.constant 0 : index
      %get3A_83 = vector.load %arg8[%get3A_81, %get3A_82] : memref<1x8xf32, #tpu.memory_space<vmem>>, vector<1x8xf32>
      %add3A_84 = vector.broadcast %get3A_83 : vector<1x8xf32> to vector<32x8xf32>
      %add3A_85 = arith.addf %dot_general3A_80, %add3A_84 : vector<32x8xf32>
      %swap3A_86 = arith.constant 0 : index
      %swap3A_87 = arith.constant 0 : index
      %swap3A_88 = vector.load %arg9[%swap3A_86, %swap3A_87] : memref<32x8xf32, #tpu.memory_space<vmem>>, vector<32x8xf32>
      tpu.vector_store %arg9[%swap3A_86, %swap3A_87], %add3A_85 {strides = array<i32>} : memref<32x8xf32, #tpu.memory_space<vmem>>, vector<32x8xf32>,
    } else {
    }
    return
  }
  func.func @transform_0(%arg0: i32) -> (i32, i32, i32) {
    %c0_i32 = arith.constant 0 : i32
    %c0_i32_0 = arith.constant 0 : i32
    %c0_i32_1 = arith.constant 0 : i32
    return %c0_i32, %arg0, %c0_i32_0 : i32, i32, i32
  }
  func.func @transform_1(%arg0: i32) -> (i32, i32) {
    %c0_i32 = arith.constant 0 : i32
    %c0_i32_0 = arith.constant 0 : i32
    return %arg0, %c0_i32 : i32, i32
  }
  func.func @transform_2(%arg0: i32) -> (i32, i32) {
    %c0_i32 = arith.constant 0 : i32
    %c0_i32_0 = arith.constant 0 : i32
    return %arg0, %c0_i32 : i32, i32
  }
  func.func @transform_3(%arg0: i32) -> (i32, i32) {
    %c0_i32 = arith.constant 0 : i32
    %c0_i32_0 = arith.constant 0 : i32
    return %arg0, %c0_i32 : i32, i32
  }
  func.func @transform_4(%arg0: i32) -> (i32, i32) {
    %c0_i32 = arith.constant 0 : i32
    %c0_i32_0 = arith.constant 0 : i32
    %c0_i32_1 = arith.constant 0 : i32
    return %c0_i32, %c0_i32_0 : i32, i32
  }
  func.func @transform_5(%arg0: i32) -> (i32, i32) {
    %c0_i32 = arith.constant 0 : i32
    %c0_i32_0 = arith.constant 0 : i32
    %c0_i32_1 = arith.constant 0 : i32
    return %c0_i32, %c0_i32_0 : i32, i32
  }
  func.func @transform_6(%arg0: i32) -> (i32, i32) {
    %c0_i32 = arith.constant 0 : i32
    %c0_i32_0 = arith.constant 0 : i32
    %c0_i32_1 = arith.constant 0 : i32
    return %c0_i32, %c0_i32_0 : i32, i32
  }
  func.func @transform_7(%arg0: i32) -> (i32, i32) {
    %c0_i32 = arith.constant 0 : i32
    %c0_i32_0 = arith.constant 0 : i32
    %c0_i32_1 = arith.constant 0 : i32
    return %c0_i32, %c0_i32_0 : i32, i32
  }
  func.func @transform_8(%arg0: i32) -> (i32, i32) {
    %c0_i32 = arith.constant 0 : i32
    %c0_i32_0 = arith.constant 0 : i32
    %c0_i32_1 = arith.constant 0 : i32
    return %c0_i32, %c0_i32_0 : i32, i32
  }
}

</mosaic_0001>

<sc_bundles>
// kernel: kernel.12.cloned.1.call-start
scs
__scs_entry_jumppad:
0x0: {  	(pc) =	sbr.rel $0x88, $3  }
0x1: {  	(tag) =	ssettag $0x0;
	lr =	simm.s32 $0x1  }
0x2: {  	[smem:$0x3F91] =	sst lr;
	_ =	strace $0xD0000000  }
0x3: {  	_ = 	snop  }
0x4: {  	_ = 	snop  }
0x5: {  	_ = 	snop  }
0x6: {  	_ = 	snop  }
0x7: {  	_ = 	snop  }
__scs_overlays_trampoline_lowered:
0x8: {  	[smem:$0x3FA0] =	sst s0  }
0x9: {  	[smem:$0x3FA1] =	sst s1  }
0xa: {  	[smem:$0x3FA2] =	sst s2  }
0xb: {  	[smem:$0x3FA3] =	sst s3  }
0xc: {  	[smem:$0x3FA4] =	sst s4  }
0xd: {  	[smem:$0x3FA5] =	sst s5  }
0xe: {  	[smem:$0x3FA6] =	sst s6  }
0xf: {  	[smem:$0x3FA7] =	sst s7  }
0x10: {  	[smem:$0x3FA8] =	sst s8  }
0x11: {  	[smem:$0x3FA9] =	sst s9;
	s0 =	simm.s32 @!p0 $0x0  }
0x12: {  	s1 =	sld [smem:$0x3F8F];
	s0 =	simm.s32 @p0 $0x1  }
0x13: {  	[smem:$0x3FAA] =	sst s0;
	s0 =	simm.s32 @!p1 $0x0  }
0x14: {  	s2 =	sld [smem:$0x3F8E];
	s0 =	simm.s32 @p1 $0x1  }
0x15: {  	[smem:$0x3FAB] =	sst s0;
	s0 =	simm.s32 @!p2 $0x0  }
0x16: {  	s3 =	sld [smem:$0x3FDB];
	s0 =	simm.s32 @p2 $0x1  }
0x17: {  	s4 =	simm.s32 $0x1BF5;
	[smem:$0x3FAD] =	sst s0  }
0x18: {  	s0 =	sld [smem:$0x3F90];
	_ =	swait.ge [sflag:s4], $0x0  }
0x19: {  	s7 =	sld [smem:$0x3F91]  }
0x1a: {  	s8 =	sadd.s32 $0xFFFFE003, lr  }
0x1b: {  	s9 =	sadd.s32 $0xFFFFFEF7, lr;
	s5 =	simm.s32 $0xFFFFFFFF;
	p2 =	slt.u32 s8, $0xFFFFF086  }
0x1c: {  	p1 =	slt.u32 s9, $0xF7A;
	s5 =	simm.s32 @!p2 $0x0  }
0x1d: {  	s5 =	simm.s32 @p1 $0x1;
	p0 =	seq.s32 s7, s2  }
0x1e: {  	s7 =	smul.u32 @!p0 $0xF7A, s2;
	p2 =	seq.s32 @!p0 s5, $0x0  }
0x1f: {  	s9 =	smul.u32 $0xF7A, s1;
	s8 =	simm.s32 @!p0 $0x1BF5;
	p2 =	por !p2, p0  }
0x20: {  	[sflag:s8] =	ssyncset.s32 @!p0 $0xFFFFF086;
	s6 =	sadd.s32 @!p0 s3, s7;
	s7 =	simm.s32 @!p0 $0x108  }
0x21: {  	s3 =	sadd.s32 s3, s9;
	s6 =	sadd.s32 @!p0 $0x88, s6;
	s7 =	simm.s32 @p2 $0x1082  }
0x22: {  	[simem:s7], [sflag:s8] =	dma.local @!p0 [hbm:s6], $0xF7A  }
0x23: {  	s9 =	sor.u32 $0xD0000000, s2;
	s6 =	simm.s32 $0x108;
	_ =	swait.ge @!p0 [sflag:s8], $0x0  }
0x24: {  	s3 =	sadd.s32 $0x88, s3;
	s6 =	simm.s32 @!p1 $0x1082;
	[sflag:s4] =	ssyncset.s32 $0xFFFFF086  }
0x25: {  	[simem:s6], [sflag:s4] =	dma.local [hbm:s3], $0xF7A  }
0x26: {  	[smem:$0x3F91] =	sst s1;
	(tag) =	ssettag s2;
	_ =	strace s9  }
0x27: {  	s1 =	sld [smem:$0x3FA1]  }
0x28: {  	s2 =	sld [smem:$0x3FA2]  }
0x29: {  	s4 =	sld [smem:$0x3FA4]  }
0x2a: {  	p0 =	seq.s32 s5, $0x0;
	s5 =	sld [smem:$0x3FA5]  }
0x2b: {  	s6 =	sld [smem:$0x3FA6]  }
0x2c: {  	s7 =	sld [smem:$0x3FA7]  }
0x2d: {  	s3 =	simm.s32 $0x108;
	s8 =	sld [smem:$0x3FA8]  }
0x2e: {  	s3 =	simm.s32 @!p0 $0x1082;
	s9 =	sld [smem:$0x3FA9]  }
0x2f: {  	lr =	sadd.s32 s0, s3;
	s0 =	sld [smem:$0x3FA0]  }
0x30: {  	s3 =	sld [smem:$0x3FA3]  }
0x31: {  	[smem:$0x3FAC] =	sst s10  }
0x32: {  	s10 =	sld [smem:$0x3FAA];
	_ =	sdelay $0x3  }
0x33: {  	p0 =	seq.s32 s10, $0x1;
	s10 =	sld [smem:$0x3FAC];
	_ =	sdelay $0x3  }
0x34: {  	[smem:$0x3FAC] =	sst s10  }
0x35: {  	s10 =	sld [smem:$0x3FAB];
	_ =	sdelay $0x3  }
0x36: {  	p1 =	seq.s32 s10, $0x1;
	s10 =	sld [smem:$0x3FAC];
	_ =	sdelay $0x3  }
0x37: {  	[smem:$0x3FAC] =	sst s10  }
0x38: {  	s10 =	sld [smem:$0x3FAD]  }
0x39: {  	_ = 	snop;
	(pc) =	sbr.ind lr, $3  }
0x3a: {  	_ = 	snop  }
0x3b: {  	_ = 	snop  }
0x3c: {  	p2 =	seq.s32 s10, $0x1;
	s10 =	sld [smem:$0x3FAC]  }
0x3d: {  	_ =	shalt  }
0x3e: {  	_ =	shalt  }
0x3f: {  	_ =	shalt  }
0x40: {  	_ =	shalt  }
0x41: {  	_ =	shalt  }
0x42: {  	_ =	shalt  }
0x43: {  	_ =	shalt  }
0x44: {  	_ =	shalt  }
0x45: {  	_ =	shalt  }
0x46: {  	_ =	shalt  }
0x47: {  	_ =	shalt  }
0x48: {  	_ =	shalt  }
0x49: {  	_ =	shalt  }
0x4a: {  	_ =	shalt  }
0x4b: {  	_ =	shalt  }
0x4c: {  	_ =	shalt  }
0x4d: {  	_ =	shalt  }
0x4e: {  	_ =	shalt  }
0x4f: {  	_ =	shalt  }
0x50: {  	_ =	shalt  }
0x51: {  	_ =	shalt  }
0x52: {  	_ =	shalt  }
0x53: {  	_ =	shalt  }
0x54: {  	_ =	shalt  }
0x55: {  	_ =	shalt  }
0x56: {  	_ =	shalt  }
0x57: {  	_ =	shalt  }
0x58: {  	_ =	shalt  }
0x59: {  	_ =	shalt  }
0x5a: {  	_ =	shalt  }
0x5b: {  	_ =	shalt  }
0x5c: {  	_ =	shalt  }
0x5d: {  	_ =	shalt  }
0x5e: {  	_ =	shalt  }
0x5f: {  	_ =	shalt  }
0x60: {  	_ =	shalt  }
0x61: {  	_ =	shalt  }
0x62: {  	_ =	shalt  }
0x63: {  	_ =	shalt  }
0x64: {  	_ =	shalt  }
0x65: {  	_ =	shalt  }
0x66: {  	_ =	shalt  }
0x67: {  	_ =	shalt  }
0x68: {  	_ =	shalt  }
0x69: {  	_ =	shalt  }
0x6a: {  	_ =	shalt  }
0x6b: {  	_ =	shalt  }
0x6c: {  	_ =	shalt  }
0x6d: {  	_ =	shalt  }
0x6e: {  	_ =	shalt  }
0x6f: {  	_ =	shalt  }
0x70: {  	_ =	shalt  }
0x71: {  	_ =	shalt  }
0x72: {  	_ =	shalt  }
0x73: {  	_ =	shalt  }
0x74: {  	_ =	shalt  }
0x75: {  	_ =	shalt  }
0x76: {  	_ =	shalt  }
0x77: {  	_ =	shalt  }
0x78: {  	_ =	shalt  }
0x79: {  	_ =	shalt  }
0x7a: {  	_ =	shalt  }
0x7b: {  	_ =	shalt  }
0x7c: {  	_ =	shalt  }
0x7d: {  	_ =	shalt  }
0x7e: {  	_ =	shalt  }
0x7f: {  	_ =	shalt  }
0x80: {  	_ =	shalt  }
0x81: {  	_ =	shalt  }
0x82: {  	_ =	shalt  }
0x83: {  	_ =	shalt  }
0x84: {  	_ =	shalt  }
0x85: {  	_ =	shalt  }
0x86: {  	_ =	shalt  }
0x87: {  	_ =	shalt  }
.Lfunc_end0:
.L_simem_size_0:
called_computation.1_lowered:
.L_overlay_start_0:
0x88: {  	s2 =	sld [smem:$0x3FD9]  }
0x89: {  	s3 =	sld [smem:$0x3FFE];
	_ =	sdelay $0x1  }
0x8a: {  	s1 =	srdreg.scid  }
0x8b: {  	s0 =	sand.u32 $0x1, s1  }
0x8c: {  	s16 =	sshll.u32 s0, $0xA;
	s2 =	sadd.s32 s3, s2  }
0x8d: {  	s2 =	sadd.s32 s2, s16  }
0x8e: {  	[smem:$0x3FB8] =	sst s2  }
0x8f: {  	_ = 	snop  }
0x90: {  	(tm) =	ssettm $0x1  }
0x91: {  	s17 =	sld [smem:$0x3FFB];
	_ =	sdelay $0x3  }
0x92: {  	_ =	strace s17  }
0x93: {  	s2 =	sld [smem:$0x3FFC];
	_ =	sdelay $0x3  }
0x94: {  	_ =	strace s2  }
0x95: {  	s2 =	sld [smem:$0x3FFD];
	_ =	sdelay $0x3  }
0x96: {  	_ =	strace s2  }
0x97: {  	_ =	strace $0x8FFFFFFF  }
0x98: {  	s18 =	sld [smem:$0x3FDB];
	_ =	sdelay $0x1  }
0x99: {  	s19 =	simm.s32 $_scs_section_size  }
0x9a: {  	s4 =	simm.s32 $_size__tile_overlayer_lowered;
	s5 =	simm.s32 $_tile_overlayer_lowered  }
0x9b: {  	s22 =	simm.s32 $0x1BFF;
	s21 =	sshll.u32 s5, $0x1;
	s2 =	sadd.s32 s19, s18  }
0x9c: {  	s6 =	simm.s32 $0x0;
	s20 =	sshll.u32 s4, $0x1;
	s4 =	sadd.s32 s21, s2  }
0x9d: {  	[timem:s6], [sflag:s22] =	dma.local [hbm:s4], s20  }
0x9e: {  	_ =	swait.ge [sflag:s22], s20  }
0x9f: {  	s3 =	ssub.s32 $0x0, s20;
	[sflag:s22] =	ssyncset.done $0x0  }
0xa0: {  	[sflag:s22] =	ssyncadd.s32 s3;
	_ =	sdelay $0x1  }
0xa1: {  	s23 =	simm.s32 $0x1B8B  }
0xa2: {  	_ =	swait.ge [sflag:s23], $0x1  }
0xa3: {  	[sflag:s23] =	ssyncset.done $0x0  }
0xa4: {  	s25 =	simm.s32 $0x1B8E;
	s24 =	sld [smem:$0x3FFE];
	[sflag:s23] =	ssyncadd.s32 $0xFFFFFFFF  }
0xa5: {  	s26 =	simm.s32 $execute0_lowered;
	[smem:$0x3FD2] =	sst s25  }
0xa6: {  	s4 =	sshll.u32 s26, $0x1;
	_ =	strace $0x80000049;
	[dreg:$0x1] =	wrdreg $0xFFFFFFFF  }
0xa7: {  	s28 =	simm.s32 $_size_execute0_lowered;
	s2 =	sadd.s32 s2, s4;
	[dreg:$0x0] =	wrdreg $0x0  }
0xa8: {  	s4 =	sshll.u32 s28, $0x1;
	[dreg:$0x2] =	wrdreg s2  }
0xa9: {  	[dreg:$0x3] =	wrdreg s4  }
0xaa: {  	[dreg:$0x4] =	wrdreg $0xC0  }
0xab: {  	_ =	task [dreg:s6], $0x5FFFF  }
0xac: {  	[dreg:$0x1] =	wrdreg $0xFFFFFFFF  }
0xad: {  	[dreg:$0x0] =	wrdreg $0x60  }
0xae: {  	[dreg:$0x2] =	wrdreg s24  }
0xaf: {  	[dreg:$0x3] =	wrdreg $0x90000  }
0xb0: {  	[dreg:$0x4] =	wrdreg $0xDE200  }
0xb1: {  	[dreg:$0x5] =	wrdreg $0x9  }
0xb2: {  	_ =	task.clear_ibuf [dreg:s6], $0x6FFFF;
	_ =	strace $0x90000049  }
0xb3: {  	s29 =	simm.s32 $0x9;
	_ =	strace $0x8000004B  }
0xb4: {  	_ =	swait.ge [sflag:s29], $0x1  }
0xb5: {  	[sflag:s29] =	ssyncadd.s32 $0xFFFFFFFF  }
0xb6: {  	_ =	strace $0x9000004B  }
0xb7: {  	_ =	sfence  }
0xb8: {  	s30 =	sld [smem:$0x0];
	_ =	sdelay $0x2  }
0xb9: {  	s31 =	sshll.u32 s1, $0xD;
	s1 =	sshrl.u32 s1, $0x2  }
0xba: {  	s3 =	sand.u32 $0x4000, s31;
	s1 =	sadd.s32 s1, s30  }
0xbb: {  	s0 =	sor.u32 s3, s0;
	s1 =	sshll.u32 s1, $0x11  }
0xbc: {  	s0 =	sor.u32 s1, s0  }
0xbd: {  	s0 =	sadd.s32 $0x8F2B, s0  }
0xbe: {  	[sflag:s0] =	ssyncadd.remote.s32 $0x1  }
0xbf: {  	_ =	sfence.sel $0xFFFF  }
0xc0: {  	[dreg:$0x0] =	wrdreg $0xFFFFFFFF;
	(pc) =	sbr.abs _section_cstart, $3  }
0xc1: {  	[dreg:$0x1] =	wrdreg $0xFFFFFFFF  }
0xc2: {  	_ =	task.clear_ibuf [dreg:s6], $0x2FFFF;
	_ =	strace $0x9FFFFFFF  }
0xc3: {  	(tm) =	ssettm $0x7FFFFFFF  }
tec
execute0_lowered:
.L_overlay_start_1:
0x0: {  	(tag) =	ssettag $0x1  }
0x1: {  	s5 =	rddreg [dreg:$0x0]  }
0x2: {  	s0 =	srdreg.scid;
	s2 =	rddreg [dreg:$0x1]  }
0x3: {  	s9 =	stileid.u32;
	s3 =	rddreg [dreg:$0x2];
	s4 =	simm.s32 $0x0  }
0x4: {  	s13 =	simm.s32 $0x3;
	s15 =	simm.s32 $0x2800;
	s16 =	simm.s32 $0x80  }
0x5: {  	s17 =	simm.s32 $0x5000;
	s18 =	simm.s32 $0x6000;
	s19 =	simm.s32 $0x1  }
0x6: {  	s21 =	simm.s32 $0x7000;
	s23 =	simm.s32 $0x8000;
	s24 =	simm.s32 $0x2880  }
0x7: {  	s28 =	simm.s32 $0x2900;
	s29 =	simm.s32 $0x280;
	s30 =	simm.s32 $0x2980  }
0x8: {  	s31 =	simm.s32 $0x0;
	s0 =	sand.u32 $0x1, s0;
	s7 =	smul.u32 $0x4E20, s9  }
0x9: {  	[smem:$0x7FF] =	sst s4;
	s26 =	sshll.u32 s9, $0x6;
	s1 =	sshll.u32 s0, $0x4  }
0xa: {  	s6 =	smul.u32 $0x4E200, s0;
	_ =	strace $0x8000004A;
	s0 =	ssub.s32 $0x2, s0  }
0xb: {  	s1 =	sor.u32 s9, s1;
	s8 =	sshrl.u32 s7, $0x3;
	s25 =	sshrl.u32 s0, $0x1  }
0xc: {  	s12 =	sadd.s32 s7, s2;
	s14 =	sadd.s32 s7, s3;
	s1 =	smul.u32 $0x500, s1  }
0xd: {  	s6 =	sadd.s32 s7, s6;
	s8 =	sadd.s32 s8, s5;
	s0 =	ssub.s32 s0, s25  }
.Ltmp0:
0xe: {  	s12 =	sshrl.u32 s12, $0x3;
	s14 =	sshrl.u32 s14, $0x3;
	(pc) =	sbr.rel .LBB2_1-.Ltmp0, $4  }
0xf: {  	s25 =	simm.s32 $0x2;
	s6 =	sshrl.u32 s6, $0x3;
	s7 =	sadd.s32 $0x25200, s8  }
0x10: {  	s11 =	smax.u32 s0, $0x1;
	s1 =	sadd.s32 s1, s5;
	s10 =	sadd.s32 s6, s5  }
0x11: {  	s5 =	sadd.s32 $0x2600, s8;
	s6 =	sor.u32 $0x1C03, s26;
	s26 =	simm.s32 $0x200  }
0x12: {  	s8 =	sadd.s32 $0x1B200, s1;
	s9 =	sadd.s32 $0x11200, s1;
	s10 =	sadd.s32 $0x2F000, s10  }
.LBB2_4:
0x13: {  	[spmem:s3] =	stream.indirect.scatter.add.f32 [tilespmem:s21], [sflag:$0x2], $0x20, s20, s16, $0xb8;
	[tilespmem:$0x12E20] =	vst v63  }
0x14: {  	_ =	swait.ge [sflag:s19], $0x1000  }
0x15: {  	[sflag:s19] =	ssyncset.done $0x0  }
0x16: {  	[sflag:s19] =	ssyncadd.s32 $0xFFFFF000  }
0x17: {  	_ =	swait.ge [sflag:s25], $0x1000  }
0x18: {  	[sflag:s25] =	ssyncset.done $0x0  }
0x19: {  	s0 =	sadd.s32 $0x2B80, s0;
	[sflag:s25] =	ssyncadd.s32 $0xFFFFF000  }
0x1a: {  	[spmem:s3] =	stream.indirect.scatter.add.f32 [tilespmem:s23], [sflag:$0x2], $0x20, s0, s16, $0xb8;
	[tilespmem:$0x12E20] =	vst v63  }
0x1b: {  	_ =	swait.ge [sflag:s25], $0x1000  }
0x1c: {  	[sflag:s25] =	ssyncset.done $0x0  }
0x1d: {  	[sflag:s25] =	ssyncadd.s32 $0xFFFFF000  }
0x1e: {  	_ =	swait.ge [sflag:s25], $0x1000  }
0x1f: {  	s31 =	sadd.s32 $0x1, s31;
	[sflag:s25] =	ssyncset.done $0x0  }
0x20: {  	p0 =	sne.s32 s31, s11;
	[sflag:s25] =	ssyncadd.s32 $0xFFFFF000  }
.Ltmp1:
0x21: {  	[bflag:$0x0] =	sbarrier.arrive $0xFFFF;
	(pc) =	sbr.rel @!p0 .LBB2_5-.Ltmp1, $4  }
0x22: {  	[hbm:s10], [sflag:s6] =	dma.local [spmem:s14], $0x9C4  }
0x23: {  	_ =	swait.ge [sflag:s13], $0x9C4  }
0x24: {  	[sflag:s13] =	ssyncset.done $0x0  }
0x25: {  	[sflag:s13] =	ssyncadd.s32 $0xFFFFF63C  }
.LBB2_1:
0x26: {  	[spmem:s12], [sflag:s6] =	dma.local [hbm:s5], $0x9C4  }
0x27: {  	_ =	swait.ge [sflag:s13], $0x9C4  }
0x28: {  	[sflag:s13] =	ssyncset.done $0x0  }
0x29: {  	[sflag:s13] =	ssyncadd.s32 $0xFFFFF63C  }
0x2a: {  	[spmem:s14], [sflag:s6] =	dma.local [hbm:s7], $0x9C4  }
0x2b: {  	_ =	swait.ge [sflag:s13], $0x9C4  }
0x2c: {  	[sflag:s13] =	ssyncset.done $0x0  }
0x2d: {  	[sflag:s13] =	ssyncadd.s32 $0xFFFFF63C  }
0x2e: {  	[tilespmem:s4], [sflag:$0x3] =	stream.linear.gather [hbm4b:s8+s4], $0x2800, $0x38;
	[tilespmem:$0x12E20] =	vst v63  }
0x2f: {  	_ =	swait.ge [sflag:s13], $0x2800  }
0x30: {  	[sflag:s13] =	ssyncset.done $0x0  }
0x31: {  	[sflag:s13] =	ssyncadd.s32 $0xFFFFD800  }
0x32: {  	[tilespmem:s15], [sflag:$0x3] =	stream.linear.gather [hbm4b:s9+s4], $0x2800, $0x38;
	[tilespmem:$0x12E20] =	vst v63  }
0x33: {  	_ =	swait.ge [sflag:s13], $0x2800  }
0x34: {  	[sflag:s13] =	ssyncset.done $0x0  }
0x35: {  	[sflag:s13] =	ssyncadd.s32 $0xFFFFD800  }
0x36: {  	[bflag:$0x0] =	sbarrier.arrive $0xFFFF  }
0x37: {  	[tilespmem:s17], [sflag:$0x1] =	stream.indirect.gather [spmem:s2], $0x20, s4, s16, $0xb8;
	[tilespmem:$0x12E20] =	vst v63  }
0x38: {  	_ = 	snop  }
0x39: {  	[tilespmem:s18], [sflag:$0x1] =	stream.indirect.gather [spmem:s2], $0x20, s16, s16, $0xb8;
	[tilespmem:$0x12E20] =	vst v63  }
0x3a: {  	_ =	swait.ge [sflag:s19], $0x1000  }
0x3b: {  	[sflag:s19] =	ssyncset.done $0x0  }
0x3c: {  	s0 =	simm.s32 $0x100;
	[sflag:s19] =	ssyncadd.s32 $0xFFFFF000  }
0x3d: {  	[tilespmem:s21], [sflag:$0x1] =	stream.indirect.gather [spmem:s2], $0x20, s0, s16, $0xb8;
	[tilespmem:$0x12E20] =	vst v63  }
0x3e: {  	_ = 	snop  }
0x3f: {  	[spmem:s3] =	stream.indirect.scatter.add.f32 [tilespmem:s17], [sflag:$0x2], $0x20, s15, s16, $0xb8;
	[tilespmem:$0x12E20] =	vst v63  }
0x40: {  	_ =	swait.ge [sflag:s19], $0x1000  }
0x41: {  	[sflag:s19] =	ssyncset.done $0x0  }
0x42: {  	s22 =	simm.s32 $0x180;
	[sflag:s19] =	ssyncadd.s32 $0xFFFFF000  }
0x43: {  	[tilespmem:s23], [sflag:$0x1] =	stream.indirect.gather [spmem:s2], $0x20, s22, s16, $0xb8;
	[tilespmem:$0x12E20] =	vst v63  }
0x44: {  	_ = 	snop  }
0x45: {  	[spmem:s3] =	stream.indirect.scatter.add.f32 [tilespmem:s18], [sflag:$0x2], $0x20, s24, s16, $0xb8;
	[tilespmem:$0x12E20] =	vst v63  }
0x46: {  	_ =	swait.ge [sflag:s19], $0x1000  }
0x47: {  	[sflag:s19] =	ssyncset.done $0x0  }
0x48: {  	[sflag:s19] =	ssyncadd.s32 $0xFFFFF000  }
0x49: {  	_ =	swait.ge [sflag:s25], $0x1000  }
0x4a: {  	[sflag:s25] =	ssyncset.done $0x0  }
0x4b: {  	[sflag:s25] =	ssyncadd.s32 $0xFFFFF000  }
0x4c: {  	[tilespmem:s17], [sflag:$0x1] =	stream.indirect.gather [spmem:s2], $0x20, s26, s16, $0xb8;
	[tilespmem:$0x12E20] =	vst v63  }
0x4d: {  	_ = 	snop  }
0x4e: {  	[spmem:s3] =	stream.indirect.scatter.add.f32 [tilespmem:s21], [sflag:$0x2], $0x20, s28, s16, $0xb8;
	[tilespmem:$0x12E20] =	vst v63  }
0x4f: {  	_ =	swait.ge [sflag:s19], $0x1000  }
0x50: {  	[sflag:s19] =	ssyncset.done $0x0  }
0x51: {  	[sflag:s19] =	ssyncadd.s32 $0xFFFFF000  }
0x52: {  	_ =	swait.ge [sflag:s25], $0x1000  }
0x53: {  	[sflag:s25] =	ssyncset.done $0x0  }
0x54: {  	[sflag:s25] =	ssyncadd.s32 $0xFFFFF000  }
0x55: {  	[tilespmem:s18], [sflag:$0x1] =	stream.indirect.gather [spmem:s2], $0x20, s29, s16, $0xb8;
	[tilespmem:$0x12E20] =	vst v63  }
0x56: {  	s1 =	simm.s32 $0x0  }
0x57: {  	[spmem:s3] =	stream.indirect.scatter.add.f32 [tilespmem:s23], [sflag:$0x2], $0x20, s30, s16, $0xb8;
	[tilespmem:$0x12E20] =	vst v63  }
.LBB2_2:
0x58: {  	_ =	swait.ge [sflag:s19], $0x1000  }
0x59: {  	[sflag:s19] =	ssyncset.done $0x0  }
0x5a: {  	[sflag:s19] =	ssyncadd.s32 $0xFFFFF000  }
0x5b: {  	_ =	swait.ge [sflag:s25], $0x1000  }
0x5c: {  	s0 =	sshra.s32 s1, $0x2;
	[sflag:s25] =	ssyncset.done $0x0  }
0x5d: {  	s20 =	sadd.s32 $0x300, s0;
	[sflag:s25] =	ssyncadd.s32 $0xFFFFF000  }
0x5e: {  	[tilespmem:s21], [sflag:$0x1] =	stream.indirect.gather [spmem:s2], $0x20, s20, s16, $0xb8;
	[tilespmem:$0x12E20] =	vst v63  }
0x5f: {  	s22 =	sadd.s32 $0x2A00, s0  }
0x60: {  	[spmem:s3] =	stream.indirect.scatter.add.f32 [tilespmem:s17], [sflag:$0x2], $0x20, s22, s16, $0xb8;
	[tilespmem:$0x12E20] =	vst v63  }
0x61: {  	_ =	swait.ge [sflag:s19], $0x1000  }
0x62: {  	[sflag:s19] =	ssyncset.done $0x0  }
0x63: {  	[sflag:s19] =	ssyncadd.s32 $0xFFFFF000  }
0x64: {  	_ =	swait.ge [sflag:s25], $0x1000  }
0x65: {  	[sflag:s25] =	ssyncset.done $0x0  }
0x66: {  	s22 =	sadd.s32 $0x380, s0;
	[sflag:s25] =	ssyncadd.s32 $0xFFFFF000  }
0x67: {  	[tilespmem:s23], [sflag:$0x1] =	stream.indirect.gather [spmem:s2], $0x20, s22, s16, $0xb8;
	[tilespmem:$0x12E20] =	vst v63  }
0x68: {  	s22 =	sadd.s32 $0x2A80, s0  }
0x69: {  	[spmem:s3] =	stream.indirect.scatter.add.f32 [tilespmem:s18], [sflag:$0x2], $0x20, s22, s16, $0xb8;
	[tilespmem:$0x12E20] =	vst v63  }
0x6a: {  	p0 =	seq.s32 s1, $0x9000;
	_ =	swait.ge [sflag:s19], $0x1000  }
.Ltmp2:
0x6b: {  	[sflag:s19] =	ssyncset.done $0x0;
	(pc) =	sbr.rel @p0 .LBB2_4-.Ltmp2, $4  }
0x6c: {  	[sflag:s19] =	ssyncadd.s32 $0xFFFFF000  }
0x6d: {  	_ =	swait.ge [sflag:s25], $0x1000  }
0x6e: {  	[sflag:s25] =	ssyncset.done $0x0  }
0x6f: {  	s20 =	sadd.s32 $0x2B00, s0;
	[sflag:s25] =	ssyncadd.s32 $0xFFFFF000  }
0x70: {  	s22 =	sadd.s32 $0x400, s0  }
0x71: {  	[tilespmem:s17], [sflag:$0x1] =	stream.indirect.gather [spmem:s2], $0x20, s22, s16, $0xb8;
	[tilespmem:$0x12E20] =	vst v63  }
0x72: {  	_ = 	snop  }
0x73: {  	[spmem:s3] =	stream.indirect.scatter.add.f32 [tilespmem:s21], [sflag:$0x2], $0x20, s20, s16, $0xb8;
	[tilespmem:$0x12E20] =	vst v63  }
0x74: {  	_ =	swait.ge [sflag:s19], $0x1000  }
0x75: {  	[sflag:s19] =	ssyncset.done $0x0  }
0x76: {  	[sflag:s19] =	ssyncadd.s32 $0xFFFFF000  }
0x77: {  	_ =	swait.ge [sflag:s25], $0x1000  }
.Ltmp3:
0x78: {  	[sflag:s25] =	ssyncset.done $0x0;
	(pc) =	sbr.rel .LBB2_2-.Ltmp3, $4  }
0x79: {  	s22 =	sadd.s32 $0x480, s0;
	[sflag:s25] =	ssyncadd.s32 $0xFFFFF000  }
0x7a: {  	[tilespmem:s18], [sflag:$0x1] =	stream.indirect.gather [spmem:s2], $0x20, s22, s16, $0xb8;
	[tilespmem:$0x12E20] =	vst v63  }
0x7b: {  	s1 =	sadd.s32 $0x800, s1;
	s22 =	sadd.s32 $0x2B80, s0  }
0x7c: {  	[spmem:s3] =	stream.indirect.scatter.add.f32 [tilespmem:s23], [sflag:$0x2], $0x20, s22, s16, $0xb8;
	[tilespmem:$0x12E20] =	vst v63  }
.LBB2_5:
0x7d: {  	_ =	sfence.sel $0x180000  }
0x7e: {  	[bflag:$0x0] =	sbarrier.arrive $0xFFFF  }
0x7f: {  	_ =	strace $0x9000004A  }
0x80: {  	s0 =	stileid.u32;
	[bflag:$0x2] =	sbarrier.arrive $0xFFFF  }
0x81: {  	p0 =	sne.s32 s0, $0x0;
	s0 =	rddreg [dreg:$0x3]  }
0x82: {  	s0 =	sadd.s32 @!p0 $0x100000, s0  }
0x83: {  	[sflag:s0] =	ssyncadd.tile.s32 @!p0 $0x1;
	_ =	shalt  }
.Lfunc_end2:
_tile_overlayer_lowered:
.L_overlay_start_2:
0x84: {  	(tag) =	ssettag $0x2  }
0x85: {  	s0 =	rddreg [dreg:$0x0];
	s2 =	stileid.u32  }
0x86: {  	s1 =	rddreg [dreg:$0x1];
	p0 =	sne.s32 s2, $0x0  }
0x87: {  	s3 =	rddreg [dreg:$0x2];
	[bflag:$0x3] =	sbarrier.arrive $0xFFFF;
	s2 =	simm.s32 @!p0 $0x1C03  }
0x88: {  	[timem:s3], [sflag:s2] =	dma.local @!p0 [hbm:s0], s1  }
0x89: {  	s0 =	simm.s32 @!p0 $0x3  }
0x8a: {  	_ =	swait.ge @!p0 [sflag:s0], s1  }
0x8b: {  	s1 =	ssub.s32 @!p0 $0x0, s1;
	[sflag:s0] =	ssyncset.done @!p0 $0x0  }
0x8c: {  	[sflag:s0] =	ssyncadd.s32 @!p0 s1  }
0x8d: {  	[bflag:$0x3] =	sbarrier.arrive $0xFFFF  }
0x8e: {  	_ =	shalt  }

// kernel: kernel.15.cloned.1.call-start
scs
__scs_entry_jumppad:
0x0: {  	(pc) =	sbr.rel $0x88, $3  }
0x1: {  	(tag) =	ssettag $0x0;
	lr =	simm.s32 $0x1  }
0x2: {  	[smem:$0x3F91] =	sst lr;
	_ =	strace $0xD0000000  }
0x3: {  	_ = 	snop  }
0x4: {  	_ = 	snop  }
0x5: {  	_ = 	snop  }
0x6: {  	_ = 	snop  }
0x7: {  	_ = 	snop  }
__scs_overlays_trampoline_lowered:
0x8: {  	[smem:$0x3FA0] =	sst s0  }
0x9: {  	[smem:$0x3FA1] =	sst s1  }
0xa: {  	[smem:$0x3FA2] =	sst s2  }
0xb: {  	[smem:$0x3FA3] =	sst s3  }
0xc: {  	[smem:$0x3FA4] =	sst s4  }
0xd: {  	[smem:$0x3FA5] =	sst s5  }
0xe: {  	[smem:$0x3FA6] =	sst s6  }
0xf: {  	[smem:$0x3FA7] =	sst s7  }
0x10: {  	[smem:$0x3FA8] =	sst s8  }
0x11: {  	[smem:$0x3FA9] =	sst s9;
	s0 =	simm.s32 @!p0 $0x0  }
0x12: {  	s1 =	sld [smem:$0x3F8F];
	s0 =	simm.s32 @p0 $0x1  }
0x13: {  	[smem:$0x3FAA] =	sst s0;
	s0 =	simm.s32 @!p1 $0x0  }
0x14: {  	s2 =	sld [smem:$0x3F8E];
	s0 =	simm.s32 @p1 $0x1  }
0x15: {  	[smem:$0x3FAB] =	sst s0;
	s0 =	simm.s32 @!p2 $0x0  }
0x16: {  	s3 =	sld [smem:$0x3FDB];
	s0 =	simm.s32 @p2 $0x1  }
0x17: {  	s4 =	simm.s32 $0x1BF5;
	[smem:$0x3FAD] =	sst s0  }
0x18: {  	s0 =	sld [smem:$0x3F90];
	_ =	swait.ge [sflag:s4], $0x0  }
0x19: {  	s7 =	sld [smem:$0x3F91]  }
0x1a: {  	s8 =	sadd.s32 $0xFFFFE003, lr  }
0x1b: {  	s9 =	sadd.s32 $0xFFFFFEF7, lr;
	s5 =	simm.s32 $0xFFFFFFFF;
	p2 =	slt.u32 s8, $0xFFFFF086  }
0x1c: {  	p1 =	slt.u32 s9, $0xF7A;
	s5 =	simm.s32 @!p2 $0x0  }
0x1d: {  	s5 =	simm.s32 @p1 $0x1;
	p0 =	seq.s32 s7, s2  }
0x1e: {  	s7 =	smul.u32 @!p0 $0xF7A, s2;
	p2 =	seq.s32 @!p0 s5, $0x0  }
0x1f: {  	s9 =	smul.u32 $0xF7A, s1;
	s8 =	simm.s32 @!p0 $0x1BF5;
	p2 =	por !p2, p0  }
0x20: {  	[sflag:s8] =	ssyncset.s32 @!p0 $0xFFFFF086;
	s6 =	sadd.s32 @!p0 s3, s7;
	s7 =	simm.s32 @!p0 $0x108  }
0x21: {  	s3 =	sadd.s32 s3, s9;
	s6 =	sadd.s32 @!p0 $0x88, s6;
	s7 =	simm.s32 @p2 $0x1082  }
0x22: {  	[simem:s7], [sflag:s8] =	dma.local @!p0 [hbm:s6], $0xF7A  }
0x23: {  	s9 =	sor.u32 $0xD0000000, s2;
	s6 =	simm.s32 $0x108;
	_ =	swait.ge @!p0 [sflag:s8], $0x0  }
0x24: {  	s3 =	sadd.s32 $0x88, s3;
	s6 =	simm.s32 @!p1 $0x1082;
	[sflag:s4] =	ssyncset.s32 $0xFFFFF086  }
0x25: {  	[simem:s6], [sflag:s4] =	dma.local [hbm:s3], $0xF7A  }
0x26: {  	[smem:$0x3F91] =	sst s1;
	(tag) =	ssettag s2;
	_ =	strace s9  }
0x27: {  	s1 =	sld [smem:$0x3FA1]  }
0x28: {  	s2 =	sld [smem:$0x3FA2]  }
0x29: {  	s4 =	sld [smem:$0x3FA4]  }
0x2a: {  	p0 =	seq.s32 s5, $0x0;
	s5 =	sld [smem:$0x3FA5]  }
0x2b: {  	s6 =	sld [smem:$0x3FA6]  }
0x2c: {  	s7 =	sld [smem:$0x3FA7]  }
0x2d: {  	s3 =	simm.s32 $0x108;
	s8 =	sld [smem:$0x3FA8]  }
0x2e: {  	s3 =	simm.s32 @!p0 $0x1082;
	s9 =	sld [smem:$0x3FA9]  }
0x2f: {  	lr =	sadd.s32 s0, s3;
	s0 =	sld [smem:$0x3FA0]  }
0x30: {  	s3 =	sld [smem:$0x3FA3]  }
0x31: {  	[smem:$0x3FAC] =	sst s10  }
0x32: {  	s10 =	sld [smem:$0x3FAA];
	_ =	sdelay $0x3  }
0x33: {  	p0 =	seq.s32 s10, $0x1;
	s10 =	sld [smem:$0x3FAC];
	_ =	sdelay $0x3  }
0x34: {  	[smem:$0x3FAC] =	sst s10  }
0x35: {  	s10 =	sld [smem:$0x3FAB];
	_ =	sdelay $0x3  }
0x36: {  	p1 =	seq.s32 s10, $0x1;
	s10 =	sld [smem:$0x3FAC];
	_ =	sdelay $0x3  }
0x37: {  	[smem:$0x3FAC] =	sst s10  }
0x38: {  	s10 =	sld [smem:$0x3FAD]  }
0x39: {  	_ = 	snop;
	(pc) =	sbr.ind lr, $3  }
0x3a: {  	_ = 	snop  }
0x3b: {  	_ = 	snop  }
0x3c: {  	p2 =	seq.s32 s10, $0x1;
	s10 =	sld [smem:$0x3FAC]  }
0x3d: {  	_ =	shalt  }
0x3e: {  	_ =	shalt  }
0x3f: {  	_ =	shalt  }
0x40: {  	_ =	shalt  }
0x41: {  	_ =	shalt  }
0x42: {  	_ =	shalt  }
0x43: {  	_ =	shalt  }
0x44: {  	_ =	shalt  }
0x45: {  	_ =	shalt  }
0x46: {  	_ =	shalt  }
0x47: {  	_ =	shalt  }
0x48: {  	_ =	shalt  }
0x49: {  	_ =	shalt  }
0x4a: {  	_ =	shalt  }
0x4b: {  	_ =	shalt  }
0x4c: {  	_ =	shalt  }
0x4d: {  	_ =	shalt  }
0x4e: {  	_ =	shalt  }
0x4f: {  	_ =	shalt  }
0x50: {  	_ =	shalt  }
0x51: {  	_ =	shalt  }
0x52: {  	_ =	shalt  }
0x53: {  	_ =	shalt  }
0x54: {  	_ =	shalt  }
0x55: {  	_ =	shalt  }
0x56: {  	_ =	shalt  }
0x57: {  	_ =	shalt  }
0x58: {  	_ =	shalt  }
0x59: {  	_ =	shalt  }
0x5a: {  	_ =	shalt  }
0x5b: {  	_ =	shalt  }
0x5c: {  	_ =	shalt  }
0x5d: {  	_ =	shalt  }
0x5e: {  	_ =	shalt  }
0x5f: {  	_ =	shalt  }
0x60: {  	_ =	shalt  }
0x61: {  	_ =	shalt  }
0x62: {  	_ =	shalt  }
0x63: {  	_ =	shalt  }
0x64: {  	_ =	shalt  }
0x65: {  	_ =	shalt  }
0x66: {  	_ =	shalt  }
0x67: {  	_ =	shalt  }
0x68: {  	_ =	shalt  }
0x69: {  	_ =	shalt  }
0x6a: {  	_ =	shalt  }
0x6b: {  	_ =	shalt  }
0x6c: {  	_ =	shalt  }
0x6d: {  	_ =	shalt  }
0x6e: {  	_ =	shalt  }
0x6f: {  	_ =	shalt  }
0x70: {  	_ =	shalt  }
0x71: {  	_ =	shalt  }
0x72: {  	_ =	shalt  }
0x73: {  	_ =	shalt  }
0x74: {  	_ =	shalt  }
0x75: {  	_ =	shalt  }
0x76: {  	_ =	shalt  }
0x77: {  	_ =	shalt  }
0x78: {  	_ =	shalt  }
0x79: {  	_ =	shalt  }
0x7a: {  	_ =	shalt  }
0x7b: {  	_ =	shalt  }
0x7c: {  	_ =	shalt  }
0x7d: {  	_ =	shalt  }
0x7e: {  	_ =	shalt  }
0x7f: {  	_ =	shalt  }
0x80: {  	_ =	shalt  }
0x81: {  	_ =	shalt  }
0x82: {  	_ =	shalt  }
0x83: {  	_ =	shalt  }
0x84: {  	_ =	shalt  }
0x85: {  	_ =	shalt  }
0x86: {  	_ =	shalt  }
0x87: {  	_ =	shalt  }
.Lfunc_end0:
.L_simem_size_0:
called_computation.2_lowered:
.L_overlay_start_0:
0x88: {  	s2 =	sld [smem:$0x3FD9]  }
0x89: {  	s3 =	sld [smem:$0x3FFE];
	_ =	sdelay $0x1  }
0x8a: {  	s1 =	srdreg.scid  }
0x8b: {  	s0 =	sand.u32 $0x1, s1  }
0x8c: {  	s16 =	sshll.u32 s0, $0xA;
	s2 =	sadd.s32 s3, s2  }
0x8d: {  	s2 =	sadd.s32 s2, s16  }
0x8e: {  	[smem:$0x3FB8] =	sst s2  }
0x8f: {  	_ = 	snop  }
0x90: {  	(tm) =	ssettm $0x1  }
0x91: {  	s17 =	sld [smem:$0x3FFB];
	_ =	sdelay $0x3  }
0x92: {  	_ =	strace s17  }
0x93: {  	s2 =	sld [smem:$0x3FFC];
	_ =	sdelay $0x3  }
0x94: {  	_ =	strace s2  }
0x95: {  	s2 =	sld [smem:$0x3FFD];
	_ =	sdelay $0x3  }
0x96: {  	_ =	strace s2  }
0x97: {  	_ =	strace $0x8FFFFFFF  }
0x98: {  	s18 =	sld [smem:$0x3FDB];
	_ =	sdelay $0x1  }
0x99: {  	s19 =	simm.s32 $_scs_section_size  }
0x9a: {  	s4 =	simm.s32 $_size__tile_overlayer_lowered;
	s5 =	simm.s32 $_tile_overlayer_lowered  }
0x9b: {  	s22 =	simm.s32 $0x1BFF;
	s21 =	sshll.u32 s5, $0x1;
	s2 =	sadd.s32 s19, s18  }
0x9c: {  	s6 =	simm.s32 $0x0;
	s20 =	sshll.u32 s4, $0x1;
	s4 =	sadd.s32 s21, s2  }
0x9d: {  	[timem:s6], [sflag:s22] =	dma.local [hbm:s4], s20  }
0x9e: {  	_ =	swait.ge [sflag:s22], s20  }
0x9f: {  	s3 =	ssub.s32 $0x0, s20;
	[sflag:s22] =	ssyncset.done $0x0  }
0xa0: {  	[sflag:s22] =	ssyncadd.s32 s3;
	_ =	sdelay $0x1  }
0xa1: {  	s23 =	simm.s32 $0x1B8B  }
0xa2: {  	_ =	swait.ge [sflag:s23], $0x1  }
0xa3: {  	[sflag:s23] =	ssyncset.done $0x0  }
0xa4: {  	s25 =	simm.s32 $0x1B8E;
	s24 =	sld [smem:$0x3FFE];
	[sflag:s23] =	ssyncadd.s32 $0xFFFFFFFF  }
0xa5: {  	s26 =	simm.s32 $execute0_lowered;
	[smem:$0x3FD2] =	sst s25  }
0xa6: {  	s4 =	sshll.u32 s26, $0x1;
	_ =	strace $0x8000004C;
	[dreg:$0x1] =	wrdreg $0xFFFFFFFF  }
0xa7: {  	s28 =	simm.s32 $_size_execute0_lowered;
	s2 =	sadd.s32 s2, s4;
	[dreg:$0x0] =	wrdreg $0x0  }
0xa8: {  	s4 =	sshll.u32 s28, $0x1;
	[dreg:$0x2] =	wrdreg s2  }
0xa9: {  	[dreg:$0x3] =	wrdreg s4  }
0xaa: {  	[dreg:$0x4] =	wrdreg $0xC0  }
0xab: {  	_ =	task [dreg:s6], $0x5FFFF  }
0xac: {  	[dreg:$0x1] =	wrdreg $0xFFFFFFFF  }
0xad: {  	[dreg:$0x0] =	wrdreg $0x60  }
0xae: {  	[dreg:$0x2] =	wrdreg s24  }
0xaf: {  	[dreg:$0x3] =	wrdreg $0x90000  }
0xb0: {  	[dreg:$0x4] =	wrdreg $0xDE200  }
0xb1: {  	[dreg:$0x5] =	wrdreg $0x9  }
0xb2: {  	_ =	task.clear_ibuf [dreg:s6], $0x6FFFF;
	_ =	strace $0x9000004C  }
0xb3: {  	s29 =	simm.s32 $0x9;
	_ =	strace $0x8000004E  }
0xb4: {  	_ =	swait.ge [sflag:s29], $0x1  }
0xb5: {  	[sflag:s29] =	ssyncadd.s32 $0xFFFFFFFF  }
0xb6: {  	_ =	strace $0x9000004E  }
0xb7: {  	_ =	sfence  }
0xb8: {  	s30 =	sld [smem:$0x0];
	_ =	sdelay $0x2  }
0xb9: {  	s31 =	sshll.u32 s1, $0xD;
	s1 =	sshrl.u32 s1, $0x2  }
0xba: {  	s3 =	sand.u32 $0x4000, s31;
	s1 =	sadd.s32 s1, s30  }
0xbb: {  	s0 =	sor.u32 s3, s0;
	s1 =	sshll.u32 s1, $0x11  }
0xbc: {  	s0 =	sor.u32 s1, s0  }
0xbd: {  	s0 =	sadd.s32 $0x8F2B, s0  }
0xbe: {  	[sflag:s0] =	ssyncadd.remote.s32 $0x1  }
0xbf: {  	_ =	sfence.sel $0xFFFF  }
0xc0: {  	[dreg:$0x0] =	wrdreg $0xFFFFFFFF;
	(pc) =	sbr.abs _section_cstart, $3  }
0xc1: {  	[dreg:$0x1] =	wrdreg $0xFFFFFFFF  }
0xc2: {  	_ =	task.clear_ibuf [dreg:s6], $0x2FFFF;
	_ =	strace $0x9FFFFFFF  }
0xc3: {  	(tm) =	ssettm $0x7FFFFFFF  }
tec
execute0_lowered:
.L_overlay_start_1:
0x0: {  	(tag) =	ssettag $0x1  }
0x1: {  	s5 =	rddreg [dreg:$0x0]  }
0x2: {  	s0 =	srdreg.scid;
	s2 =	rddreg [dreg:$0x1]  }
0x3: {  	s9 =	stileid.u32;
	s3 =	rddreg [dreg:$0x2];
	s4 =	simm.s32 $0x0  }
0x4: {  	s13 =	simm.s32 $0x3;
	s15 =	simm.s32 $0x2800;
	s16 =	simm.s32 $0x80  }
0x5: {  	s17 =	simm.s32 $0x5000;
	s18 =	simm.s32 $0x6000;
	s19 =	simm.s32 $0x1  }
0x6: {  	s21 =	simm.s32 $0x7000;
	s23 =	simm.s32 $0x8000;
	s24 =	simm.s32 $0x2880  }
0x7: {  	s28 =	simm.s32 $0x2900;
	s29 =	simm.s32 $0x280;
	s30 =	simm.s32 $0x2980  }
0x8: {  	s31 =	simm.s32 $0x0;
	s0 =	sand.u32 $0x1, s0;
	s7 =	smul.u32 $0x4E20, s9  }
0x9: {  	[smem:$0x7FF] =	sst s4;
	s26 =	sshll.u32 s9, $0x6;
	s1 =	sshll.u32 s0, $0x4  }
0xa: {  	s6 =	smul.u32 $0x4E200, s0;
	_ =	strace $0x8000004D;
	s0 =	ssub.s32 $0x2, s0  }
0xb: {  	s1 =	sor.u32 s9, s1;
	s8 =	sshrl.u32 s7, $0x3;
	s25 =	sshrl.u32 s0, $0x1  }
0xc: {  	s12 =	sadd.s32 s7, s2;
	s14 =	sadd.s32 s7, s3;
	s1 =	smul.u32 $0x500, s1  }
0xd: {  	s6 =	sadd.s32 s7, s6;
	s8 =	sadd.s32 s8, s5;
	s0 =	ssub.s32 s0, s25  }
.Ltmp0:
0xe: {  	s12 =	sshrl.u32 s12, $0x3;
	s14 =	sshrl.u32 s14, $0x3;
	(pc) =	sbr.rel .LBB2_1-.Ltmp0, $4  }
0xf: {  	s25 =	simm.s32 $0x2;
	s6 =	sshrl.u32 s6, $0x3;
	s7 =	sadd.s32 $0x25200, s8  }
0x10: {  	s11 =	smax.u32 s0, $0x1;
	s1 =	sadd.s32 s1, s5;
	s10 =	sadd.s32 s6, s5  }
0x11: {  	s5 =	sadd.s32 $0x2600, s8;
	s6 =	sor.u32 $0x1C03, s26;
	s26 =	simm.s32 $0x200  }
0x12: {  	s8 =	sadd.s32 $0x1B200, s1;
	s9 =	sadd.s32 $0x11200, s1;
	s10 =	sadd.s32 $0x2F000, s10  }
.LBB2_4:
0x13: {  	[spmem:s3] =	stream.indirect.scatter.add.f32 [tilespmem:s21], [sflag:$0x2], $0x20, s20, s16, $0xb8;
	[tilespmem:$0x12E20] =	vst v63  }
0x14: {  	_ =	swait.ge [sflag:s19], $0x1000  }
0x15: {  	[sflag:s19] =	ssyncset.done $0x0  }
0x16: {  	[sflag:s19] =	ssyncadd.s32 $0xFFFFF000  }
0x17: {  	_ =	swait.ge [sflag:s25], $0x1000  }
0x18: {  	[sflag:s25] =	ssyncset.done $0x0  }
0x19: {  	s0 =	sadd.s32 $0x2B80, s0;
	[sflag:s25] =	ssyncadd.s32 $0xFFFFF000  }
0x1a: {  	[spmem:s3] =	stream.indirect.scatter.add.f32 [tilespmem:s23], [sflag:$0x2], $0x20, s0, s16, $0xb8;
	[tilespmem:$0x12E20] =	vst v63  }
0x1b: {  	_ =	swait.ge [sflag:s25], $0x1000  }
0x1c: {  	[sflag:s25] =	ssyncset.done $0x0  }
0x1d: {  	[sflag:s25] =	ssyncadd.s32 $0xFFFFF000  }
0x1e: {  	_ =	swait.ge [sflag:s25], $0x1000  }
0x1f: {  	s31 =	sadd.s32 $0x1, s31;
	[sflag:s25] =	ssyncset.done $0x0  }
0x20: {  	p0 =	sne.s32 s31, s11;
	[sflag:s25] =	ssyncadd.s32 $0xFFFFF000  }
.Ltmp1:
0x21: {  	[bflag:$0x0] =	sbarrier.arrive $0xFFFF;
	(pc) =	sbr.rel @!p0 .LBB2_5-.Ltmp1, $4  }
0x22: {  	[hbm:s10], [sflag:s6] =	dma.local [spmem:s14], $0x9C4  }
0x23: {  	_ =	swait.ge [sflag:s13], $0x9C4  }
0x24: {  	[sflag:s13] =	ssyncset.done $0x0  }
0x25: {  	[sflag:s13] =	ssyncadd.s32 $0xFFFFF63C  }
.LBB2_1:
0x26: {  	[spmem:s12], [sflag:s6] =	dma.local [hbm:s5], $0x9C4  }
0x27: {  	_ =	swait.ge [sflag:s13], $0x9C4  }
0x28: {  	[sflag:s13] =	ssyncset.done $0x0  }
0x29: {  	[sflag:s13] =	ssyncadd.s32 $0xFFFFF63C  }
0x2a: {  	[spmem:s14], [sflag:s6] =	dma.local [hbm:s7], $0x9C4  }
0x2b: {  	_ =	swait.ge [sflag:s13], $0x9C4  }
0x2c: {  	[sflag:s13] =	ssyncset.done $0x0  }
0x2d: {  	[sflag:s13] =	ssyncadd.s32 $0xFFFFF63C  }
0x2e: {  	[tilespmem:s4], [sflag:$0x3] =	stream.linear.gather [hbm4b:s8+s4], $0x2800, $0x38;
	[tilespmem:$0x12E20] =	vst v63  }
0x2f: {  	_ =	swait.ge [sflag:s13], $0x2800  }
0x30: {  	[sflag:s13] =	ssyncset.done $0x0  }
0x31: {  	[sflag:s13] =	ssyncadd.s32 $0xFFFFD800  }
0x32: {  	[tilespmem:s15], [sflag:$0x3] =	stream.linear.gather [hbm4b:s9+s4], $0x2800, $0x38;
	[tilespmem:$0x12E20] =	vst v63  }
0x33: {  	_ =	swait.ge [sflag:s13], $0x2800  }
0x34: {  	[sflag:s13] =	ssyncset.done $0x0  }
0x35: {  	[sflag:s13] =	ssyncadd.s32 $0xFFFFD800  }
0x36: {  	[bflag:$0x0] =	sbarrier.arrive $0xFFFF  }
0x37: {  	[tilespmem:s17], [sflag:$0x1] =	stream.indirect.gather [spmem:s2], $0x20, s4, s16, $0xb8;
	[tilespmem:$0x12E20] =	vst v63  }
0x38: {  	_ = 	snop  }
0x39: {  	[tilespmem:s18], [sflag:$0x1] =	stream.indirect.gather [spmem:s2], $0x20, s16, s16, $0xb8;
	[tilespmem:$0x12E20] =	vst v63  }
0x3a: {  	_ =	swait.ge [sflag:s19], $0x1000  }
0x3b: {  	[sflag:s19] =	ssyncset.done $0x0  }
0x3c: {  	s0 =	simm.s32 $0x100;
	[sflag:s19] =	ssyncadd.s32 $0xFFFFF000  }
0x3d: {  	[tilespmem:s21], [sflag:$0x1] =	stream.indirect.gather [spmem:s2], $0x20, s0, s16, $0xb8;
	[tilespmem:$0x12E20] =	vst v63  }
0x3e: {  	_ = 	snop  }
0x3f: {  	[spmem:s3] =	stream.indirect.scatter.add.f32 [tilespmem:s17], [sflag:$0x2], $0x20, s15, s16, $0xb8;
	[tilespmem:$0x12E20] =	vst v63  }
0x40: {  	_ =	swait.ge [sflag:s19], $0x1000  }
0x41: {  	[sflag:s19] =	ssyncset.done $0x0  }
0x42: {  	s22 =	simm.s32 $0x180;
	[sflag:s19] =	ssyncadd.s32 $0xFFFFF000  }
0x43: {  	[tilespmem:s23], [sflag:$0x1] =	stream.indirect.gather [spmem:s2], $0x20, s22, s16, $0xb8;
	[tilespmem:$0x12E20] =	vst v63  }
0x44: {  	_ = 	snop  }
0x45: {  	[spmem:s3] =	stream.indirect.scatter.add.f32 [tilespmem:s18], [sflag:$0x2], $0x20, s24, s16, $0xb8;
	[tilespmem:$0x12E20] =	vst v63  }
0x46: {  	_ =	swait.ge [sflag:s19], $0x1000  }
0x47: {  	[sflag:s19] =	ssyncset.done $0x0  }
0x48: {  	[sflag:s19] =	ssyncadd.s32 $0xFFFFF000  }
0x49: {  	_ =	swait.ge [sflag:s25], $0x1000  }
0x4a: {  	[sflag:s25] =	ssyncset.done $0x0  }
0x4b: {  	[sflag:s25] =	ssyncadd.s32 $0xFFFFF000  }
0x4c: {  	[tilespmem:s17], [sflag:$0x1] =	stream.indirect.gather [spmem:s2], $0x20, s26, s16, $0xb8;
	[tilespmem:$0x12E20] =	vst v63  }
0x4d: {  	_ = 	snop  }
0x4e: {  	[spmem:s3] =	stream.indirect.scatter.add.f32 [tilespmem:s21], [sflag:$0x2], $0x20, s28, s16, $0xb8;
	[tilespmem:$0x12E20] =	vst v63  }
0x4f: {  	_ =	swait.ge [sflag:s19], $0x1000  }
0x50: {  	[sflag:s19] =	ssyncset.done $0x0  }
0x51: {  	[sflag:s19] =	ssyncadd.s32 $0xFFFFF000  }
0x52: {  	_ =	swait.ge [sflag:s25], $0x1000  }
0x53: {  	[sflag:s25] =	ssyncset.done $0x0  }
0x54: {  	[sflag:s25] =	ssyncadd.s32 $0xFFFFF000  }
0x55: {  	[tilespmem:s18], [sflag:$0x1] =	stream.indirect.gather [spmem:s2], $0x20, s29, s16, $0xb8;
	[tilespmem:$0x12E20] =	vst v63  }
0x56: {  	s1 =	simm.s32 $0x0  }
0x57: {  	[spmem:s3] =	stream.indirect.scatter.add.f32 [tilespmem:s23], [sflag:$0x2], $0x20, s30, s16, $0xb8;
	[tilespmem:$0x12E20] =	vst v63  }
.LBB2_2:
0x58: {  	_ =	swait.ge [sflag:s19], $0x1000  }
0x59: {  	[sflag:s19] =	ssyncset.done $0x0  }
0x5a: {  	[sflag:s19] =	ssyncadd.s32 $0xFFFFF000  }
0x5b: {  	_ =	swait.ge [sflag:s25], $0x1000  }
0x5c: {  	s0 =	sshra.s32 s1, $0x2;
	[sflag:s25] =	ssyncset.done $0x0  }
0x5d: {  	s20 =	sadd.s32 $0x300, s0;
	[sflag:s25] =	ssyncadd.s32 $0xFFFFF000  }
0x5e: {  	[tilespmem:s21], [sflag:$0x1] =	stream.indirect.gather [spmem:s2], $0x20, s20, s16, $0xb8;
	[tilespmem:$0x12E20] =	vst v63  }
0x5f: {  	s22 =	sadd.s32 $0x2A00, s0  }
0x60: {  	[spmem:s3] =	stream.indirect.scatter.add.f32 [tilespmem:s17], [sflag:$0x2], $0x20, s22, s16, $0xb8;
	[tilespmem:$0x12E20] =	vst v63  }
0x61: {  	_ =	swait.ge [sflag:s19], $0x1000  }
0x62: {  	[sflag:s19] =	ssyncset.done $0x0  }
0x63: {  	[sflag:s19] =	ssyncadd.s32 $0xFFFFF000  }
0x64: {  	_ =	swait.ge [sflag:s25], $0x1000  }
0x65: {  	[sflag:s25] =	ssyncset.done $0x0  }
0x66: {  	s22 =	sadd.s32 $0x380, s0;
	[sflag:s25] =	ssyncadd.s32 $0xFFFFF000  }
0x67: {  	[tilespmem:s23], [sflag:$0x1] =	stream.indirect.gather [spmem:s2], $0x20, s22, s16, $0xb8;
	[tilespmem:$0x12E20] =	vst v63  }
0x68: {  	s22 =	sadd.s32 $0x2A80, s0  }
0x69: {  	[spmem:s3] =	stream.indirect.scatter.add.f32 [tilespmem:s18], [sflag:$0x2], $0x20, s22, s16, $0xb8;
	[tilespmem:$0x12E20] =	vst v63  }
0x6a: {  	p0 =	seq.s32 s1, $0x9000;
	_ =	swait.ge [sflag:s19], $0x1000  }
.Ltmp2:
0x6b: {  	[sflag:s19] =	ssyncset.done $0x0;
	(pc) =	sbr.rel @p0 .LBB2_4-.Ltmp2, $4  }
0x6c: {  	[sflag:s19] =	ssyncadd.s32 $0xFFFFF000  }
0x6d: {  	_ =	swait.ge [sflag:s25], $0x1000  }
0x6e: {  	[sflag:s25] =	ssyncset.done $0x0  }
0x6f: {  	s20 =	sadd.s32 $0x2B00, s0;
	[sflag:s25] =	ssyncadd.s32 $0xFFFFF000  }
0x70: {  	s22 =	sadd.s32 $0x400, s0  }
0x71: {  	[tilespmem:s17], [sflag:$0x1] =	stream.indirect.gather [spmem:s2], $0x20, s22, s16, $0xb8;
	[tilespmem:$0x12E20] =	vst v63  }
0x72: {  	_ = 	snop  }
0x73: {  	[spmem:s3] =	stream.indirect.scatter.add.f32 [tilespmem:s21], [sflag:$0x2], $0x20, s20, s16, $0xb8;
	[tilespmem:$0x12E20] =	vst v63  }
0x74: {  	_ =	swait.ge [sflag:s19], $0x1000  }
0x75: {  	[sflag:s19] =	ssyncset.done $0x0  }
0x76: {  	[sflag:s19] =	ssyncadd.s32 $0xFFFFF000  }
0x77: {  	_ =	swait.ge [sflag:s25], $0x1000  }
.Ltmp3:
0x78: {  	[sflag:s25] =	ssyncset.done $0x0;
	(pc) =	sbr.rel .LBB2_2-.Ltmp3, $4  }
0x79: {  	s22 =	sadd.s32 $0x480, s0;
	[sflag:s25] =	ssyncadd.s32 $0xFFFFF000  }
0x7a: {  	[tilespmem:s18], [sflag:$0x1] =	stream.indirect.gather [spmem:s2], $0x20, s22, s16, $0xb8;
	[tilespmem:$0x12E20] =	vst v63  }
0x7b: {  	s1 =	sadd.s32 $0x800, s1;
	s22 =	sadd.s32 $0x2B80, s0  }
0x7c: {  	[spmem:s3] =	stream.indirect.scatter.add.f32 [tilespmem:s23], [sflag:$0x2], $0x20, s22, s16, $0xb8;
	[tilespmem:$0x12E20] =	vst v63  }
.LBB2_5:
0x7d: {  	_ =	sfence.sel $0x180000  }
0x7e: {  	[bflag:$0x0] =	sbarrier.arrive $0xFFFF  }
0x7f: {  	_ =	strace $0x9000004D  }
0x80: {  	s0 =	stileid.u32;
	[bflag:$0x2] =	sbarrier.arrive $0xFFFF  }
0x81: {  	p0 =	sne.s32 s0, $0x0;
	s0 =	rddreg [dreg:$0x3]  }
0x82: {  	s0 =	sadd.s32 @!p0 $0x100000, s0  }
0x83: {  	[sflag:s0] =	ssyncadd.tile.s32 @!p0 $0x1;
	_ =	shalt  }
.Lfunc_end2:
_tile_overlayer_lowered:
.L_overlay_start_2:
0x84: {  	(tag) =	ssettag $0x2  }
0x85: {  	s0 =	rddreg [dreg:$0x0];
	s2 =	stileid.u32  }
0x86: {  	s1 =	rddreg [dreg:$0x1];
	p0 =	sne.s32 s2, $0x0  }
0x87: {  	s3 =	rddreg [dreg:$0x2];
	[bflag:$0x3] =	sbarrier.arrive $0xFFFF;
	s2 =	simm.s32 @!p0 $0x1C03  }
0x88: {  	[timem:s3], [sflag:s2] =	dma.local @!p0 [hbm:s0], s1  }
0x89: {  	s0 =	simm.s32 @!p0 $0x3  }
0x8a: {  	_ =	swait.ge @!p0 [sflag:s0], s1  }
0x8b: {  	s1 =	ssub.s32 @!p0 $0x0, s1;
	[sflag:s0] =	ssyncset.done @!p0 $0x0  }
0x8c: {  	[sflag:s0] =	ssyncadd.s32 @!p0 s1  }
0x8d: {  	[bflag:$0x3] =	sbarrier.arrive $0xFFFF  }
0x8e: {  	_ =	shalt  }

// kernel: kernel.9.cloned.1.call-start
scs
__scs_entry_jumppad:
0x0: {  	(pc) =	sbr.rel $0x88, $3  }
0x1: {  	(tag) =	ssettag $0x0;
	lr =	simm.s32 $0x1  }
0x2: {  	[smem:$0x3F91] =	sst lr;
	_ =	strace $0xD0000000  }
0x3: {  	_ = 	snop  }
0x4: {  	_ = 	snop  }
0x5: {  	_ = 	snop  }
0x6: {  	_ = 	snop  }
0x7: {  	_ = 	snop  }
__scs_overlays_trampoline_lowered:
0x8: {  	[smem:$0x3FA0] =	sst s0  }
0x9: {  	[smem:$0x3FA1] =	sst s1  }
0xa: {  	[smem:$0x3FA2] =	sst s2  }
0xb: {  	[smem:$0x3FA3] =	sst s3  }
0xc: {  	[smem:$0x3FA4] =	sst s4  }
0xd: {  	[smem:$0x3FA5] =	sst s5  }
0xe: {  	[smem:$0x3FA6] =	sst s6  }
0xf: {  	[smem:$0x3FA7] =	sst s7  }
0x10: {  	[smem:$0x3FA8] =	sst s8  }
0x11: {  	[smem:$0x3FA9] =	sst s9;
	s0 =	simm.s32 @!p0 $0x0  }
0x12: {  	s1 =	sld [smem:$0x3F8F];
	s0 =	simm.s32 @p0 $0x1  }
0x13: {  	[smem:$0x3FAA] =	sst s0;
	s0 =	simm.s32 @!p1 $0x0  }
0x14: {  	s2 =	sld [smem:$0x3F8E];
	s0 =	simm.s32 @p1 $0x1  }
0x15: {  	[smem:$0x3FAB] =	sst s0;
	s0 =	simm.s32 @!p2 $0x0  }
0x16: {  	s3 =	sld [smem:$0x3FDB];
	s0 =	simm.s32 @p2 $0x1  }
0x17: {  	s4 =	simm.s32 $0x1BF5;
	[smem:$0x3FAD] =	sst s0  }
0x18: {  	s0 =	sld [smem:$0x3F90];
	_ =	swait.ge [sflag:s4], $0x0  }
0x19: {  	s7 =	sld [smem:$0x3F91]  }
0x1a: {  	s8 =	sadd.s32 $0xFFFFE003, lr  }
0x1b: {  	s9 =	sadd.s32 $0xFFFFFEF7, lr;
	s5 =	simm.s32 $0xFFFFFFFF;
	p2 =	slt.u32 s8, $0xFFFFF086  }
0x1c: {  	p1 =	slt.u32 s9, $0xF7A;
	s5 =	simm.s32 @!p2 $0x0  }
0x1d: {  	s5 =	simm.s32 @p1 $0x1;
	p0 =	seq.s32 s7, s2  }
0x1e: {  	s7 =	smul.u32 @!p0 $0xF7A, s2;
	p2 =	seq.s32 @!p0 s5, $0x0  }
0x1f: {  	s9 =	smul.u32 $0xF7A, s1;
	s8 =	simm.s32 @!p0 $0x1BF5;
	p2 =	por !p2, p0  }
0x20: {  	[sflag:s8] =	ssyncset.s32 @!p0 $0xFFFFF086;
	s6 =	sadd.s32 @!p0 s3, s7;
	s7 =	simm.s32 @!p0 $0x108  }
0x21: {  	s3 =	sadd.s32 s3, s9;
	s6 =	sadd.s32 @!p0 $0x88, s6;
	s7 =	simm.s32 @p2 $0x1082  }
0x22: {  	[simem:s7], [sflag:s8] =	dma.local @!p0 [hbm:s6], $0xF7A  }
0x23: {  	s9 =	sor.u32 $0xD0000000, s2;
	s6 =	simm.s32 $0x108;
	_ =	swait.ge @!p0 [sflag:s8], $0x0  }
0x24: {  	s3 =	sadd.s32 $0x88, s3;
	s6 =	simm.s32 @!p1 $0x1082;
	[sflag:s4] =	ssyncset.s32 $0xFFFFF086  }
0x25: {  	[simem:s6], [sflag:s4] =	dma.local [hbm:s3], $0xF7A  }
0x26: {  	[smem:$0x3F91] =	sst s1;
	(tag) =	ssettag s2;
	_ =	strace s9  }
0x27: {  	s1 =	sld [smem:$0x3FA1]  }
0x28: {  	s2 =	sld [smem:$0x3FA2]  }
0x29: {  	s4 =	sld [smem:$0x3FA4]  }
0x2a: {  	p0 =	seq.s32 s5, $0x0;
	s5 =	sld [smem:$0x3FA5]  }
0x2b: {  	s6 =	sld [smem:$0x3FA6]  }
0x2c: {  	s7 =	sld [smem:$0x3FA7]  }
0x2d: {  	s3 =	simm.s32 $0x108;
	s8 =	sld [smem:$0x3FA8]  }
0x2e: {  	s3 =	simm.s32 @!p0 $0x1082;
	s9 =	sld [smem:$0x3FA9]  }
0x2f: {  	lr =	sadd.s32 s0, s3;
	s0 =	sld [smem:$0x3FA0]  }
0x30: {  	s3 =	sld [smem:$0x3FA3]  }
0x31: {  	[smem:$0x3FAC] =	sst s10  }
0x32: {  	s10 =	sld [smem:$0x3FAA];
	_ =	sdelay $0x3  }
0x33: {  	p0 =	seq.s32 s10, $0x1;
	s10 =	sld [smem:$0x3FAC];
	_ =	sdelay $0x3  }
0x34: {  	[smem:$0x3FAC] =	sst s10  }
0x35: {  	s10 =	sld [smem:$0x3FAB];
	_ =	sdelay $0x3  }
0x36: {  	p1 =	seq.s32 s10, $0x1;
	s10 =	sld [smem:$0x3FAC];
	_ =	sdelay $0x3  }
0x37: {  	[smem:$0x3FAC] =	sst s10  }
0x38: {  	s10 =	sld [smem:$0x3FAD]  }
0x39: {  	_ = 	snop;
	(pc) =	sbr.ind lr, $3  }
0x3a: {  	_ = 	snop  }
0x3b: {  	_ = 	snop  }
0x3c: {  	p2 =	seq.s32 s10, $0x1;
	s10 =	sld [smem:$0x3FAC]  }
0x3d: {  	_ =	shalt  }
0x3e: {  	_ =	shalt  }
0x3f: {  	_ =	shalt  }
0x40: {  	_ =	shalt  }
0x41: {  	_ =	shalt  }
0x42: {  	_ =	shalt  }
0x43: {  	_ =	shalt  }
0x44: {  	_ =	shalt  }
0x45: {  	_ =	shalt  }
0x46: {  	_ =	shalt  }
0x47: {  	_ =	shalt  }
0x48: {  	_ =	shalt  }
0x49: {  	_ =	shalt  }
0x4a: {  	_ =	shalt  }
0x4b: {  	_ =	shalt  }
0x4c: {  	_ =	shalt  }
0x4d: {  	_ =	shalt  }
0x4e: {  	_ =	shalt  }
0x4f: {  	_ =	shalt  }
0x50: {  	_ =	shalt  }
0x51: {  	_ =	shalt  }
0x52: {  	_ =	shalt  }
0x53: {  	_ =	shalt  }
0x54: {  	_ =	shalt  }
0x55: {  	_ =	shalt  }
0x56: {  	_ =	shalt  }
0x57: {  	_ =	shalt  }
0x58: {  	_ =	shalt  }
0x59: {  	_ =	shalt  }
0x5a: {  	_ =	shalt  }
0x5b: {  	_ =	shalt  }
0x5c: {  	_ =	shalt  }
0x5d: {  	_ =	shalt  }
0x5e: {  	_ =	shalt  }
0x5f: {  	_ =	shalt  }
0x60: {  	_ =	shalt  }
0x61: {  	_ =	shalt  }
0x62: {  	_ =	shalt  }
0x63: {  	_ =	shalt  }
0x64: {  	_ =	shalt  }
0x65: {  	_ =	shalt  }
0x66: {  	_ =	shalt  }
0x67: {  	_ =	shalt  }
0x68: {  	_ =	shalt  }
0x69: {  	_ =	shalt  }
0x6a: {  	_ =	shalt  }
0x6b: {  	_ =	shalt  }
0x6c: {  	_ =	shalt  }
0x6d: {  	_ =	shalt  }
0x6e: {  	_ =	shalt  }
0x6f: {  	_ =	shalt  }
0x70: {  	_ =	shalt  }
0x71: {  	_ =	shalt  }
0x72: {  	_ =	shalt  }
0x73: {  	_ =	shalt  }
0x74: {  	_ =	shalt  }
0x75: {  	_ =	shalt  }
0x76: {  	_ =	shalt  }
0x77: {  	_ =	shalt  }
0x78: {  	_ =	shalt  }
0x79: {  	_ =	shalt  }
0x7a: {  	_ =	shalt  }
0x7b: {  	_ =	shalt  }
0x7c: {  	_ =	shalt  }
0x7d: {  	_ =	shalt  }
0x7e: {  	_ =	shalt  }
0x7f: {  	_ =	shalt  }
0x80: {  	_ =	shalt  }
0x81: {  	_ =	shalt  }
0x82: {  	_ =	shalt  }
0x83: {  	_ =	shalt  }
0x84: {  	_ =	shalt  }
0x85: {  	_ =	shalt  }
0x86: {  	_ =	shalt  }
0x87: {  	_ =	shalt  }
.Lfunc_end0:
.L_simem_size_0:
called_computation_lowered:
.L_overlay_start_0:
0x88: {  	s2 =	sld [smem:$0x3FD9]  }
0x89: {  	s3 =	sld [smem:$0x3FFE];
	_ =	sdelay $0x1  }
0x8a: {  	s1 =	srdreg.scid  }
0x8b: {  	s0 =	sand.u32 $0x1, s1  }
0x8c: {  	s16 =	sshll.u32 s0, $0xA;
	s2 =	sadd.s32 s3, s2  }
0x8d: {  	s2 =	sadd.s32 s2, s16  }
0x8e: {  	[smem:$0x3FB8] =	sst s2  }
0x8f: {  	_ = 	snop  }
0x90: {  	(tm) =	ssettm $0x1  }
0x91: {  	s17 =	sld [smem:$0x3FFB];
	_ =	sdelay $0x3  }
0x92: {  	_ =	strace s17  }
0x93: {  	s2 =	sld [smem:$0x3FFC];
	_ =	sdelay $0x3  }
0x94: {  	_ =	strace s2  }
0x95: {  	s2 =	sld [smem:$0x3FFD];
	_ =	sdelay $0x3  }
0x96: {  	_ =	strace s2  }
0x97: {  	_ =	strace $0x8FFFFFFF  }
0x98: {  	s18 =	sld [smem:$0x3FDB];
	_ =	sdelay $0x1  }
0x99: {  	s19 =	simm.s32 $_scs_section_size  }
0x9a: {  	s4 =	simm.s32 $_size__tile_overlayer_lowered;
	s5 =	simm.s32 $_tile_overlayer_lowered  }
0x9b: {  	s22 =	simm.s32 $0x1BFF;
	s21 =	sshll.u32 s5, $0x1;
	s2 =	sadd.s32 s19, s18  }
0x9c: {  	s6 =	simm.s32 $0x0;
	s20 =	sshll.u32 s4, $0x1;
	s4 =	sadd.s32 s21, s2  }
0x9d: {  	[timem:s6], [sflag:s22] =	dma.local [hbm:s4], s20  }
0x9e: {  	_ =	swait.ge [sflag:s22], s20  }
0x9f: {  	s3 =	ssub.s32 $0x0, s20;
	[sflag:s22] =	ssyncset.done $0x0  }
0xa0: {  	[sflag:s22] =	ssyncadd.s32 s3;
	_ =	sdelay $0x1  }
0xa1: {  	s23 =	simm.s32 $0x1B8B  }
0xa2: {  	_ =	swait.ge [sflag:s23], $0x1  }
0xa3: {  	[sflag:s23] =	ssyncset.done $0x0  }
0xa4: {  	s25 =	simm.s32 $0x1B8E;
	s24 =	sld [smem:$0x3FFE];
	[sflag:s23] =	ssyncadd.s32 $0xFFFFFFFF  }
0xa5: {  	s26 =	simm.s32 $execute0_lowered;
	[smem:$0x3FD2] =	sst s25  }
0xa6: {  	s4 =	sshll.u32 s26, $0x1;
	_ =	strace $0x80000046;
	[dreg:$0x1] =	wrdreg $0xFFFFFFFF  }
0xa7: {  	s28 =	simm.s32 $_size_execute0_lowered;
	s2 =	sadd.s32 s2, s4;
	[dreg:$0x0] =	wrdreg $0x0  }
0xa8: {  	s4 =	sshll.u32 s28, $0x1;
	[dreg:$0x2] =	wrdreg s2  }
0xa9: {  	[dreg:$0x3] =	wrdreg s4  }
0xaa: {  	[dreg:$0x4] =	wrdreg $0xC0  }
0xab: {  	_ =	task [dreg:s6], $0x5FFFF  }
0xac: {  	[dreg:$0x1] =	wrdreg $0xFFFFFFFF  }
0xad: {  	[dreg:$0x0] =	wrdreg $0x60  }
0xae: {  	[dreg:$0x2] =	wrdreg s24  }
0xaf: {  	[dreg:$0x3] =	wrdreg $0xB0000  }
0xb0: {  	[dreg:$0x4] =	wrdreg $0x125300  }
0xb1: {  	[dreg:$0x5] =	wrdreg $0x9  }
0xb2: {  	_ =	task.clear_ibuf [dreg:s6], $0x6FFFF;
	_ =	strace $0x90000046  }
0xb3: {  	s29 =	simm.s32 $0x9;
	_ =	strace $0x80000048  }
0xb4: {  	_ =	swait.ge [sflag:s29], $0x1  }
0xb5: {  	[sflag:s29] =	ssyncadd.s32 $0xFFFFFFFF  }
0xb6: {  	_ =	strace $0x90000048  }
0xb7: {  	_ =	sfence  }
0xb8: {  	s30 =	sld [smem:$0x0];
	_ =	sdelay $0x2  }
0xb9: {  	s31 =	sshll.u32 s1, $0xD;
	s1 =	sshrl.u32 s1, $0x2  }
0xba: {  	s3 =	sand.u32 $0x4000, s31;
	s1 =	sadd.s32 s1, s30  }
0xbb: {  	s0 =	sor.u32 s3, s0;
	s1 =	sshll.u32 s1, $0x11  }
0xbc: {  	s0 =	sor.u32 s1, s0  }
0xbd: {  	s0 =	sadd.s32 $0x8F2B, s0  }
0xbe: {  	[sflag:s0] =	ssyncadd.remote.s32 $0x1  }
0xbf: {  	_ =	sfence.sel $0xFFFF  }
0xc0: {  	[dreg:$0x0] =	wrdreg $0xFFFFFFFF;
	(pc) =	sbr.abs _section_cstart, $3  }
0xc1: {  	[dreg:$0x1] =	wrdreg $0xFFFFFFFF  }
0xc2: {  	_ =	task.clear_ibuf [dreg:s6], $0x2FFFF;
	_ =	strace $0x9FFFFFFF  }
0xc3: {  	(tm) =	ssettm $0x7FFFFFFF  }
tec
execute0_lowered:
.L_overlay_start_1:
0x0: {  	(tag) =	ssettag $0x1  }
0x1: {  	s5 =	rddreg [dreg:$0x0]  }
0x2: {  	s0 =	srdreg.scid;
	s2 =	rddreg [dreg:$0x1]  }
0x3: {  	s9 =	stileid.u32;
	s3 =	rddreg [dreg:$0x2];
	s4 =	simm.s32 $0x0  }
0x4: {  	s13 =	simm.s32 $0x3;
	s15 =	simm.s32 $0x2800;
	s16 =	simm.s32 $0x80  }
0x5: {  	s17 =	simm.s32 $0x5000;
	s18 =	simm.s32 $0x6800;
	s19 =	simm.s32 $0x1  }
0x6: {  	s21 =	simm.s32 $0x8000;
	s23 =	simm.s32 $0x9800;
	s24 =	simm.s32 $0x2880  }
0x7: {  	s28 =	simm.s32 $0x2900;
	s29 =	simm.s32 $0x280;
	s30 =	simm.s32 $0x2980  }
0x8: {  	s31 =	simm.s32 $0x0;
	s0 =	sand.u32 $0x1, s0;
	s7 =	smul.u32 $0x7530, s9  }
0x9: {  	[smem:$0x7FF] =	sst s4;
	s26 =	sshll.u32 s9, $0x6;
	s1 =	sshll.u32 s0, $0x4  }
0xa: {  	s6 =	smul.u32 $0x75300, s0;
	_ =	strace $0x80000047;
	s0 =	ssub.s32 $0x2, s0  }
0xb: {  	s1 =	sor.u32 s9, s1;
	s8 =	sshrl.u32 s7, $0x3;
	s25 =	sshrl.u32 s0, $0x1  }
0xc: {  	s12 =	sadd.s32 s7, s2;
	s14 =	sadd.s32 s7, s3;
	s1 =	smul.u32 $0x500, s1  }
0xd: {  	s6 =	sadd.s32 s7, s6;
	s8 =	sadd.s32 s8, s5;
	s0 =	ssub.s32 s0, s25  }
.Ltmp0:
0xe: {  	s12 =	sshrl.u32 s12, $0x3;
	s14 =	sshrl.u32 s14, $0x3;
	(pc) =	sbr.rel .LBB2_1-.Ltmp0, $4  }
0xf: {  	s25 =	simm.s32 $0x2;
	s6 =	sshrl.u32 s6, $0x3;
	s7 =	sadd.s32 $0x25200, s8  }
0x10: {  	s11 =	smax.u32 s0, $0x1;
	s1 =	sadd.s32 s1, s5;
	s10 =	sadd.s32 s6, s5  }
0x11: {  	s5 =	sadd.s32 $0x2600, s8;
	s6 =	sor.u32 $0x1C03, s26;
	s26 =	simm.s32 $0x200  }
0x12: {  	s8 =	sadd.s32 $0x1B200, s1;
	s9 =	sadd.s32 $0x11200, s1;
	s10 =	sadd.s32 $0x33E00, s10  }
.LBB2_4:
0x13: {  	[spmem:s3] =	stream.indirect.scatter.add.f32 [tilespmem:s21], [sflag:$0x2], $0x30, s20, s16, $0xb8;
	[tilespmem:$0x19D30] =	vst v63  }
0x14: {  	_ =	swait.ge [sflag:s19], $0x1800  }
0x15: {  	[sflag:s19] =	ssyncset.done $0x0  }
0x16: {  	[sflag:s19] =	ssyncadd.s32 $0xFFFFE800  }
0x17: {  	_ =	swait.ge [sflag:s25], $0x1800  }
0x18: {  	[sflag:s25] =	ssyncset.done $0x0  }
0x19: {  	s0 =	sadd.s32 $0x2B80, s0;
	[sflag:s25] =	ssyncadd.s32 $0xFFFFE800  }
0x1a: {  	[spmem:s3] =	stream.indirect.scatter.add.f32 [tilespmem:s23], [sflag:$0x2], $0x30, s0, s16, $0xb8;
	[tilespmem:$0x19D30] =	vst v63  }
0x1b: {  	_ =	swait.ge [sflag:s25], $0x1800  }
0x1c: {  	[sflag:s25] =	ssyncset.done $0x0  }
0x1d: {  	[sflag:s25] =	ssyncadd.s32 $0xFFFFE800  }
0x1e: {  	_ =	swait.ge [sflag:s25], $0x1800  }
0x1f: {  	s31 =	sadd.s32 $0x1, s31;
	[sflag:s25] =	ssyncset.done $0x0  }
0x20: {  	p0 =	sne.s32 s31, s11;
	[sflag:s25] =	ssyncadd.s32 $0xFFFFE800  }
.Ltmp1:
0x21: {  	[bflag:$0x0] =	sbarrier.arrive $0xFFFF;
	(pc) =	sbr.rel @!p0 .LBB2_5-.Ltmp1, $4  }
0x22: {  	[hbm:s10], [sflag:s6] =	dma.local [spmem:s14], $0xEA6  }
0x23: {  	_ =	swait.ge [sflag:s13], $0xEA6  }
0x24: {  	[sflag:s13] =	ssyncset.done $0x0  }
0x25: {  	[sflag:s13] =	ssyncadd.s32 $0xFFFFF15A  }
.LBB2_1:
0x26: {  	[spmem:s12], [sflag:s6] =	dma.local [hbm:s5], $0xEA6  }
0x27: {  	_ =	swait.ge [sflag:s13], $0xEA6  }
0x28: {  	[sflag:s13] =	ssyncset.done $0x0  }
0x29: {  	[sflag:s13] =	ssyncadd.s32 $0xFFFFF15A  }
0x2a: {  	[spmem:s14], [sflag:s6] =	dma.local [hbm:s7], $0xEA6  }
0x2b: {  	_ =	swait.ge [sflag:s13], $0xEA6  }
0x2c: {  	[sflag:s13] =	ssyncset.done $0x0  }
0x2d: {  	[sflag:s13] =	ssyncadd.s32 $0xFFFFF15A  }
0x2e: {  	[tilespmem:s4], [sflag:$0x3] =	stream.linear.gather [hbm4b:s8+s4], $0x2800, $0x38;
	[tilespmem:$0x19D30] =	vst v63  }
0x2f: {  	_ =	swait.ge [sflag:s13], $0x2800  }
0x30: {  	[sflag:s13] =	ssyncset.done $0x0  }
0x31: {  	[sflag:s13] =	ssyncadd.s32 $0xFFFFD800  }
0x32: {  	[tilespmem:s15], [sflag:$0x3] =	stream.linear.gather [hbm4b:s9+s4], $0x2800, $0x38;
	[tilespmem:$0x19D30] =	vst v63  }
0x33: {  	_ =	swait.ge [sflag:s13], $0x2800  }
0x34: {  	[sflag:s13] =	ssyncset.done $0x0  }
0x35: {  	[sflag:s13] =	ssyncadd.s32 $0xFFFFD800  }
0x36: {  	[bflag:$0x0] =	sbarrier.arrive $0xFFFF  }
0x37: {  	[tilespmem:s17], [sflag:$0x1] =	stream.indirect.gather [spmem:s2], $0x30, s4, s16, $0xb8;
	[tilespmem:$0x19D30] =	vst v63  }
0x38: {  	_ = 	snop  }
0x39: {  	[tilespmem:s18], [sflag:$0x1] =	stream.indirect.gather [spmem:s2], $0x30, s16, s16, $0xb8;
	[tilespmem:$0x19D30] =	vst v63  }
0x3a: {  	_ =	swait.ge [sflag:s19], $0x1800  }
0x3b: {  	[sflag:s19] =	ssyncset.done $0x0  }
0x3c: {  	s0 =	simm.s32 $0x100;
	[sflag:s19] =	ssyncadd.s32 $0xFFFFE800  }
0x3d: {  	[tilespmem:s21], [sflag:$0x1] =	stream.indirect.gather [spmem:s2], $0x30, s0, s16, $0xb8;
	[tilespmem:$0x19D30] =	vst v63  }
0x3e: {  	_ = 	snop  }
0x3f: {  	[spmem:s3] =	stream.indirect.scatter.add.f32 [tilespmem:s17], [sflag:$0x2], $0x30, s15, s16, $0xb8;
	[tilespmem:$0x19D30] =	vst v63  }
0x40: {  	_ =	swait.ge [sflag:s19], $0x1800  }
0x41: {  	[sflag:s19] =	ssyncset.done $0x0  }
0x42: {  	s22 =	simm.s32 $0x180;
	[sflag:s19] =	ssyncadd.s32 $0xFFFFE800  }
0x43: {  	[tilespmem:s23], [sflag:$0x1] =	stream.indirect.gather [spmem:s2], $0x30, s22, s16, $0xb8;
	[tilespmem:$0x19D30] =	vst v63  }
0x44: {  	_ = 	snop  }
0x45: {  	[spmem:s3] =	stream.indirect.scatter.add.f32 [tilespmem:s18], [sflag:$0x2], $0x30, s24, s16, $0xb8;
	[tilespmem:$0x19D30] =	vst v63  }
0x46: {  	_ =	swait.ge [sflag:s19], $0x1800  }
0x47: {  	[sflag:s19] =	ssyncset.done $0x0  }
0x48: {  	[sflag:s19] =	ssyncadd.s32 $0xFFFFE800  }
0x49: {  	_ =	swait.ge [sflag:s25], $0x1800  }
0x4a: {  	[sflag:s25] =	ssyncset.done $0x0  }
0x4b: {  	[sflag:s25] =	ssyncadd.s32 $0xFFFFE800  }
0x4c: {  	[tilespmem:s17], [sflag:$0x1] =	stream.indirect.gather [spmem:s2], $0x30, s26, s16, $0xb8;
	[tilespmem:$0x19D30] =	vst v63  }
0x4d: {  	_ = 	snop  }
0x4e: {  	[spmem:s3] =	stream.indirect.scatter.add.f32 [tilespmem:s21], [sflag:$0x2], $0x30, s28, s16, $0xb8;
	[tilespmem:$0x19D30] =	vst v63  }
0x4f: {  	_ =	swait.ge [sflag:s19], $0x1800  }
0x50: {  	[sflag:s19] =	ssyncset.done $0x0  }
0x51: {  	[sflag:s19] =	ssyncadd.s32 $0xFFFFE800  }
0x52: {  	_ =	swait.ge [sflag:s25], $0x1800  }
0x53: {  	[sflag:s25] =	ssyncset.done $0x0  }
0x54: {  	[sflag:s25] =	ssyncadd.s32 $0xFFFFE800  }
0x55: {  	[tilespmem:s18], [sflag:$0x1] =	stream.indirect.gather [spmem:s2], $0x30, s29, s16, $0xb8;
	[tilespmem:$0x19D30] =	vst v63  }
0x56: {  	s1 =	simm.s32 $0x0  }
0x57: {  	[spmem:s3] =	stream.indirect.scatter.add.f32 [tilespmem:s23], [sflag:$0x2], $0x30, s30, s16, $0xb8;
	[tilespmem:$0x19D30] =	vst v63  }
.LBB2_2:
0x58: {  	_ =	swait.ge [sflag:s19], $0x1800  }
0x59: {  	[sflag:s19] =	ssyncset.done $0x0  }
0x5a: {  	[sflag:s19] =	ssyncadd.s32 $0xFFFFE800  }
0x5b: {  	_ =	swait.ge [sflag:s25], $0x1800  }
0x5c: {  	s0 =	sshra.s32 s1, $0x2;
	[sflag:s25] =	ssyncset.done $0x0  }
0x5d: {  	s20 =	sadd.s32 $0x300, s0;
	[sflag:s25] =	ssyncadd.s32 $0xFFFFE800  }
0x5e: {  	[tilespmem:s21], [sflag:$0x1] =	stream.indirect.gather [spmem:s2], $0x30, s20, s16, $0xb8;
	[tilespmem:$0x19D30] =	vst v63  }
0x5f: {  	s22 =	sadd.s32 $0x2A00, s0  }
0x60: {  	[spmem:s3] =	stream.indirect.scatter.add.f32 [tilespmem:s17], [sflag:$0x2], $0x30, s22, s16, $0xb8;
	[tilespmem:$0x19D30] =	vst v63  }
0x61: {  	_ =	swait.ge [sflag:s19], $0x1800  }
0x62: {  	[sflag:s19] =	ssyncset.done $0x0  }
0x63: {  	[sflag:s19] =	ssyncadd.s32 $0xFFFFE800  }
0x64: {  	_ =	swait.ge [sflag:s25], $0x1800  }
0x65: {  	[sflag:s25] =	ssyncset.done $0x0  }
0x66: {  	s22 =	sadd.s32 $0x380, s0;
	[sflag:s25] =	ssyncadd.s32 $0xFFFFE800  }
0x67: {  	[tilespmem:s23], [sflag:$0x1] =	stream.indirect.gather [spmem:s2], $0x30, s22, s16, $0xb8;
	[tilespmem:$0x19D30] =	vst v63  }
0x68: {  	s22 =	sadd.s32 $0x2A80, s0  }
0x69: {  	[spmem:s3] =	stream.indirect.scatter.add.f32 [tilespmem:s18], [sflag:$0x2], $0x30, s22, s16, $0xb8;
	[tilespmem:$0x19D30] =	vst v63  }
0x6a: {  	p0 =	seq.s32 s1, $0x9000;
	_ =	swait.ge [sflag:s19], $0x1800  }
.Ltmp2:
0x6b: {  	[sflag:s19] =	ssyncset.done $0x0;
	(pc) =	sbr.rel @p0 .LBB2_4-.Ltmp2, $4  }
0x6c: {  	[sflag:s19] =	ssyncadd.s32 $0xFFFFE800  }
0x6d: {  	_ =	swait.ge [sflag:s25], $0x1800  }
0x6e: {  	[sflag:s25] =	ssyncset.done $0x0  }
0x6f: {  	s20 =	sadd.s32 $0x2B00, s0;
	[sflag:s25] =	ssyncadd.s32 $0xFFFFE800  }
0x70: {  	s22 =	sadd.s32 $0x400, s0  }
0x71: {  	[tilespmem:s17], [sflag:$0x1] =	stream.indirect.gather [spmem:s2], $0x30, s22, s16, $0xb8;
	[tilespmem:$0x19D30] =	vst v63  }
0x72: {  	_ = 	snop  }
0x73: {  	[spmem:s3] =	stream.indirect.scatter.add.f32 [tilespmem:s21], [sflag:$0x2], $0x30, s20, s16, $0xb8;
	[tilespmem:$0x19D30] =	vst v63  }
0x74: {  	_ =	swait.ge [sflag:s19], $0x1800  }
0x75: {  	[sflag:s19] =	ssyncset.done $0x0  }
0x76: {  	[sflag:s19] =	ssyncadd.s32 $0xFFFFE800  }
0x77: {  	_ =	swait.ge [sflag:s25], $0x1800  }
.Ltmp3:
0x78: {  	[sflag:s25] =	ssyncset.done $0x0;
	(pc) =	sbr.rel .LBB2_2-.Ltmp3, $4  }
0x79: {  	s22 =	sadd.s32 $0x480, s0;
	[sflag:s25] =	ssyncadd.s32 $0xFFFFE800  }
0x7a: {  	[tilespmem:s18], [sflag:$0x1] =	stream.indirect.gather [spmem:s2], $0x30, s22, s16, $0xb8;
	[tilespmem:$0x19D30] =	vst v63  }
0x7b: {  	s1 =	sadd.s32 $0x800, s1;
	s22 =	sadd.s32 $0x2B80, s0  }
0x7c: {  	[spmem:s3] =	stream.indirect.scatter.add.f32 [tilespmem:s23], [sflag:$0x2], $0x30, s22, s16, $0xb8;
	[tilespmem:$0x19D30] =	vst v63  }
.LBB2_5:
0x7d: {  	_ =	sfence.sel $0x180000  }
0x7e: {  	[bflag:$0x0] =	sbarrier.arrive $0xFFFF  }
0x7f: {  	_ =	strace $0x90000047  }
0x80: {  	s0 =	stileid.u32;
	[bflag:$0x2] =	sbarrier.arrive $0xFFFF  }
0x81: {  	p0 =	sne.s32 s0, $0x0;
	s0 =	rddreg [dreg:$0x3]  }
0x82: {  	s0 =	sadd.s32 @!p0 $0x100000, s0  }
0x83: {  	[sflag:s0] =	ssyncadd.tile.s32 @!p0 $0x1;
	_ =	shalt  }
.Lfunc_end2:
_tile_overlayer_lowered:
.L_overlay_start_2:
0x84: {  	(tag) =	ssettag $0x2  }
0x85: {  	s0 =	rddreg [dreg:$0x0];
	s2 =	stileid.u32  }
0x86: {  	s1 =	rddreg [dreg:$0x1];
	p0 =	sne.s32 s2, $0x0  }
0x87: {  	s3 =	rddreg [dreg:$0x2];
	[bflag:$0x3] =	sbarrier.arrive $0xFFFF;
	s2 =	simm.s32 @!p0 $0x1C03  }
0x88: {  	[timem:s3], [sflag:s2] =	dma.local @!p0 [hbm:s0], s1  }
0x89: {  	s0 =	simm.s32 @!p0 $0x3  }
0x8a: {  	_ =	swait.ge @!p0 [sflag:s0], s1  }
0x8b: {  	s1 =	ssub.s32 @!p0 $0x0, s1;
	[sflag:s0] =	ssyncset.done @!p0 $0x0  }
0x8c: {  	[sflag:s0] =	ssyncadd.s32 @!p0 s1  }
0x8d: {  	[bflag:$0x3] =	sbarrier.arrive $0xFFFF  }
0x8e: {  	_ =	shalt  }

</sc_bundles>
